<compile_context>
chip_gen: v7x
topology: tpu7x:2x2x1
jax: 0.10.2.dev20260603
libtpu: 0.0.44.dev20260713+nightly
codegen_flags: <defaults>
</compile_context>

<pallas_src>
import functools

import jax
import jax.numpy as jnp
from jax import lax
from jax.experimental import pallas as pl
from jax.experimental.pallas import tpu as pltpu
from jax.experimental.pallas import tpu_sc as plsc

N = 10000
E = 320000
D = 128
NC, NS = 2, 16
NW = NC * NS
E_PAD = 327680
CHUNK = E_PAD // NW
B = 64
SEC = 1280
CAP = CHUNK + 2 * B
FT_ROWS = 10112
HIT_ROWS = 10240
DUMP = N
SHIFT = 14


def _sc_scatter(feat, src, dst, dep, dep16):
    mesh = plsc.VectorSubcoreMesh(
        core_axis_name="c", subcore_axis_name="s",
        num_cores=NC, num_subcores=NS)

    @functools.partial(
        pl.kernel,
        out_type=(
            jax.ShapeDtypeStruct((NC, N, D), jnp.float32),
            jax.ShapeDtypeStruct((NC, HIT_ROWS), jnp.float32),
        ),
        mesh=mesh,
        scratch_types=[
            pltpu.VMEM((SEC,), jnp.int32),
            pltpu.VMEM((SEC,), jnp.int32),
            pltpu.VMEM((SEC,), jnp.int32),
            pltpu.VMEM((CAP,), jnp.int32),
            pltpu.VMEM((CAP,), jnp.int32),
            pltpu.VMEM((B, D), jnp.float32),
            pltpu.VMEM((B, D), jnp.float32),
            pltpu.VMEM((2 * B,), jnp.float32),
            pltpu.VMEM((HIT_ROWS // NS,), jnp.float32),
            pltpu.VMEM((16,), jnp.int32),
            pltpu.VMEM_SHARED((FT_ROWS, D), jnp.float32),
            pltpu.VMEM_SHARED((HIT_ROWS,), jnp.float32),
            pltpu.SemaphoreType.DMA,
            pltpu.SemaphoreType.DMA,
            pltpu.SemaphoreType.DMA,
            pltpu.SemaphoreType.DMA,
            pltpu.SemaphoreType.DMA,
        ],
    )
    def k(feat_h, src_h, dst_h, dep_h, dep16_h,
          ftout_h, hitout_h,
          src_s, dst_s, dep_s, csrc, cdst, rows0, rows1, ones, zbuf,
          dep16_v, ft_acc, hit_acc, sem0, sem1, semh, semz, sems):
        cid = lax.axis_index("c")
        sid = lax.axis_index("s")
        wid = sid * NC + cid
        base = wid * CHUNK

        pltpu.sync_copy(dep16_h, dep16_v)

        def zfill_rows(i, carry):
            rows0[i // 8, pl.ds((i % 8) * 16, 16)] = jnp.zeros(
                (16,), jnp.float32)
            return carry
        lax.fori_loop(0, B * D // 16, zfill_rows, 0)

        hr = HIT_ROWS // NS

        def zfill_hit(j, carry):
            zbuf[pl.ds(j * 16, 16)] = jnp.zeros((16,), jnp.float32)
            return carry
        lax.fori_loop(0, hr // 16, zfill_hit, 0)

        zr = FT_ROWS // NS
        r0z = sid * zr

        def zcopy(i, carry):
            pltpu.async_copy(rows0, ft_acc.at[pl.ds(r0z + i * B, B)], semz)
            return carry
        lax.fori_loop(0, zr // B, zcopy, 0)
        pltpu.async_copy(rows0.at[pl.ds(0, zr % B)],
                         ft_acc.at[pl.ds(r0z + (zr // B) * B, zr % B)], semz)
        pltpu.async_copy(zbuf, hit_acc.at[pl.ds(sid * hr, hr)], semz)

        def fill_ones(j, carry):
            ones[pl.ds(j * 16, 16)] = jnp.ones((16,), jnp.float32)
            return carry
        lax.fori_loop(0, 2 * B // 16, fill_ones, 0)

        dvs = dep16_v[pl.ds(0, 16)][0]

        def section(s, ptr):
            pltpu.async_copy(src_h.at[pl.ds(base + s * SEC, SEC)], src_s,
                             sems)
            pltpu.async_copy(dst_h.at[pl.ds(base + s * SEC, SEC)], dst_s,
                             sems)
            pltpu.async_copy(dep_h.at[pl.ds(base + s * SEC, SEC)], dep_s,
                             sems)
            pltpu.make_async_copy(src_h.at[pl.ds(base + s * SEC, SEC)],
                                  src_s, sems).wait()
            pltpu.make_async_copy(dst_h.at[pl.ds(base + s * SEC, SEC)],
                                  dst_s, sems).wait()
            pltpu.make_async_copy(dep_h.at[pl.ds(base + s * SEC, SEC)],
                                  dep_s, sems).wait()

            def compact(i, p):
                d16 = dep_s[pl.ds(i * 16, 16)]
                s16 = src_s[pl.ds(i * 16, 16)]
                t16 = dst_s[pl.ds(i * 16, 16)]
                q = p
                for j in range(16):
                    pkj = s16[j] | (t16[j] << SHIFT)
                    cdst[pl.ds(q, 16)] = jnp.full((16,), pkj, jnp.int32)
                    q = q + jnp.where(d16[j] == dvs, 1, 0)
                return q
            return lax.fori_loop(0, SEC // 16, compact, ptr)
        ptr = lax.fori_loop(0, CHUNK // SEC, section, 0)

        def pad_tail(j, carry):
            cdst[pl.ds(ptr + j * 16, 16)] = jnp.full(
                (16,), DUMP << SHIFT, jnp.int32)
            return carry
        lax.fori_loop(0, 2 * B // 16, pad_tail, 0)

        nb = (ptr + B - 1) // B
        nb2 = (nb + 1) // 2

        def unpack(i, carry):
            pk = cdst[pl.ds(i * 16, 16)]
            csrc[pl.ds(i * 16, 16)] = pk & ((1 << SHIFT) - 1)
            cdst[pl.ds(i * 16, 16)] = pk >> SHIFT
            return carry
        lax.fori_loop(0, nb2 * (2 * B // 16), unpack, 0)

        def zdrain(i, carry):
            pltpu.make_async_copy(rows0, ft_acc.at[pl.ds(r0z, B)],
                                  semz).wait()
            return carry
        lax.fori_loop(0, zr // B, zdrain, 0)
        pltpu.make_async_copy(rows0.at[pl.ds(0, zr % B)],
                              ft_acc.at[pl.ds(r0z, zr % B)], semz).wait()
        pltpu.make_async_copy(zbuf, hit_acc.at[pl.ds(0, hr)], semz).wait()

        plsc.subcore_barrier()

        @pl.when(nb2 > 0)
        def _():
            pltpu.async_copy(feat_h.at[csrc.at[pl.ds(0, B)]], rows0, sem0)

        def dbatch(g, carry):
            b0 = 2 * g
            b1 = 2 * g + 1
            pltpu.async_copy(feat_h.at[csrc.at[pl.ds(b1 * B, B)]], rows1,
                             sem1)
            pltpu.async_copy(ones,
                             hit_acc.at[cdst.at[pl.ds(b0 * B, 2 * B)]],
                             semh, add=True)
            pltpu.make_async_copy(feat_h.at[csrc.at[pl.ds(b0 * B, B)]],
                                  rows0, sem0).wait()
            pltpu.sync_copy(rows0, ft_acc.at[cdst.at[pl.ds(b0 * B, B)]],
                            add=True)

            @pl.when(b0 + 2 < 2 * nb2)
            def _():
                pltpu.async_copy(feat_h.at[csrc.at[pl.ds((b0 + 2) * B, B)]],
                                 rows0, sem0)
            pltpu.make_async_copy(feat_h.at[csrc.at[pl.ds(b1 * B, B)]],
                                  rows1, sem1).wait()
            pltpu.sync_copy(rows1, ft_acc.at[cdst.at[pl.ds(b1 * B, B)]],
                            add=True)
            return carry
        lax.fori_loop(0, nb2, dbatch, 0)

        def drain_hits(g, carry):
            pltpu.make_async_copy(
                ones, hit_acc.at[cdst.at[pl.ds(0, 2 * B)]], semh).wait()
            return carry
        lax.fori_loop(0, nb2, drain_hits, 0)

        plsc.subcore_barrier()

        @pl.when(sid < 10)
        def _():
            r0 = sid * 1000
            pltpu.sync_copy(ft_acc.at[pl.ds(r0, 1000)],
                            ftout_h.at[cid].at[pl.ds(r0, 1000)])
        h0 = sid * hr
        pltpu.sync_copy(hit_acc.at[pl.ds(h0, hr)],
                        hitout_h.at[cid].at[pl.ds(h0, hr)])

    return k(feat, src, dst, dep, dep16)


def _tc_pre(feat, W1, b2):
    R = 400

    def body(feat_r, W1_r, b_r, out_r):
        out_r[...] = jnp.dot(feat_r[...], W1_r[...],
                             preferred_element_type=jnp.float32) + b_r[...]

    return pl.pallas_call(
        body,
        grid=(N // R,),
        in_specs=[
            pl.BlockSpec((R, D), lambda i: (i, 0)),
            pl.BlockSpec((D, D), lambda i: (0, 0)),
            pl.BlockSpec((1, D), lambda i: (0, 0)),
        ],
        out_specs=pl.BlockSpec((R, D), lambda i: (i, 0)),
        out_shape=jax.ShapeDtypeStruct((N, D), jnp.float32),
    )(feat, W1, b2)


def _tc_combine(feat, r1, ftp, hitp3, W2):
    R = 400

    def body(feat_r, r1_r, ft0_r, ft1_r, hit0_r, hit1_r, W2_r, out_r):
        f = feat_r[...]
        ft = ft0_r[...][0] + ft1_r[...][0]
        res = r1_r[...] + jnp.dot(ft, W2_r[...],
                                  preferred_element_type=jnp.float32)
        res = jnp.maximum(res, 0.0)
        hit = hit0_r[...][0] + hit1_r[...][0]
        out_r[...] = jnp.where(hit > 0.0, res, f)

    return pl.pallas_call(
        body,
        grid=(N // R,),
        in_specs=[
            pl.BlockSpec((R, D), lambda i: (i, 0)),
            pl.BlockSpec((R, D), lambda i: (i, 0)),
            pl.BlockSpec((1, R, D), lambda i: (0, i, 0)),
            pl.BlockSpec((1, R, D), lambda i: (1, i, 0)),
            pl.BlockSpec((1, R, 1), lambda i: (0, i, 0)),
            pl.BlockSpec((1, R, 1), lambda i: (1, i, 0)),
            pl.BlockSpec((D, D), lambda i: (0, 0)),
        ],
        out_specs=pl.BlockSpec((R, D), lambda i: (i, 0)),
        out_shape=jax.ShapeDtypeStruct((N, D), jnp.float32),
    )(feat, r1, ftp, ftp, hitp3, hitp3, W2)


def kernel(feat, edge_index, edge_depth, depth, W, b):
    pad = E_PAD - E
    src = jnp.concatenate([edge_index[0], jnp.zeros((pad,), jnp.int32)])
    dst = jnp.concatenate([edge_index[1], jnp.full((pad,), DUMP, jnp.int32)])
    edge_depth = jnp.concatenate(
        [edge_depth, jnp.full((pad,), -1, jnp.int32)])
    dep16 = jnp.full((16,), depth, jnp.int32)
    W1 = W[:D]
    W2 = W[D:]
    b2 = b.reshape(1, D)
    ftp, hitp = _sc_scatter(feat, src, dst, edge_depth, dep16)
    r1 = _tc_pre(feat, W1, b2)
    hitp3 = hitp.reshape(NC, HIT_ROWS, 1)
    return _tc_combine(feat, r1, ftp, hitp3, W2)

# --- scband reference (transcript-rebuilt; emitter-appended) ---
"""Pipeline reference for scband-topological-mplayer-78967268704334 (READ-ONLY COPY).

The authoritative reference and input builder live on the scoring server;
editing this copy changes nothing except your own understanding.
"""

import jax, jax.numpy as jnp
import numpy as np


def setup_inputs(seed: int = 0) -> dict:
    key = jax.random.key(seed)
    ks = jax.random.split(key, 6)
    N, E, d = 10000, 320000, 128
    feat = jax.random.normal(ks[0], (N, d), dtype=jnp.float32)
    edge_index = jax.random.randint(ks[1], (2, E), 0, N, dtype=jnp.int32)
    edge_depth = jax.random.randint(ks[2], (E,), 0, 4, dtype=jnp.int32)
    # MscnAggregator parameters: linear on concat(h, ft) -> hidden_dim, with ReLU
    W = jax.random.normal(ks[3], (2 * d, d), dtype=jnp.float32) * (1.0 / np.sqrt(2 * d))
    b = jnp.zeros((d,), dtype=jnp.float32)
    return {"feat": feat, "edge_index": edge_index, "edge_depth": edge_depth, "depth": 1, "W": W, "b": b}


def reference(feat, edge_index, edge_depth, depth, W, b):
    # Single canonical edge type version of TopologicalMPLayer.forward
    N = feat.shape[0]
    src = edge_index[0]
    dst = edge_index[1]
    # select edges whose 'depth' matches the requested depth (mask form, avoids dynamic shapes)
    mask = (edge_depth == depth)
    maskf = mask.astype(feat.dtype)
    # send_and_recv: copy_src('h','m') then sum('m','ft') -> scatter-add of gathered src feats
    msgs = feat[src] * maskf[:, None]
    ft = jax.ops.segment_sum(msgs, dst, num_segments=N)
    # MscnAggregator(feat, rst): ReLU(Linear(concat(h, ft)))
    res = jax.nn.relu(jnp.concatenate([feat, ft], axis=-1) @ W + b)
    # dst bitmap: only nodes that received a matching-depth edge are updated
    hit = jnp.zeros((N,), dtype=jnp.int32).at[dst].add(mask.astype(jnp.int32))
    dst_bitmap = (hit > 0)[:, None]
    out = jnp.where(dst_bitmap, res, feat)
    return out

if __name__ == "__main__":
    import jax
    _d = setup_inputs()
    print(jax.jit(kernel)(*tuple(_d.values())))

</pallas_src>

<mosaic_0001>
#map = affine_map<(d0, d1) -> (0, 0)>
#map1 = affine_map<(d0, d1) -> (0)>
#map2 = affine_map<(d0, d1) -> (0, 0, 0)>
module attributes {stable_mosaic.version = 14 : i64} {
  func.func @k(%arg0: i32, %arg1: i32, %arg2: memref<10000x128xf32, #tpu.memory_space<hbm>>, %arg3: memref<327680xi32, #tpu.memory_space<hbm>>, %arg4: memref<327680xi32, #tpu.memory_space<hbm>>, %arg5: memref<327680xi32, #tpu.memory_space<hbm>>, %arg6: memref<16xi32, #tpu.memory_space<hbm>>, %arg7: memref<2x10000x128xf32, #tpu.memory_space<hbm>>, %arg8: memref<2x10240xf32, #tpu.memory_space<hbm>>, %arg9: memref<1280xi32, #tpu.memory_space<vmem>>, %arg10: memref<1280xi32, #tpu.memory_space<vmem>>, %arg11: memref<1280xi32, #tpu.memory_space<vmem>>, %arg12: memref<10368xi32, #tpu.memory_space<vmem>>, %arg13: memref<10368xi32, #tpu.memory_space<vmem>>, %arg14: memref<64x128xf32, #tpu.memory_space<vmem>>, %arg15: memref<64x128xf32, #tpu.memory_space<vmem>>, %arg16: memref<128xf32, #tpu.memory_space<vmem>>, %arg17: memref<640xf32, #tpu.memory_space<vmem>>, %arg18: memref<16xi32, #tpu.memory_space<vmem>>, %arg19: memref<10112x128xf32, #tpu.memory_space<vmem_shared>>, %arg20: memref<10240xf32, #tpu.memory_space<vmem_shared>>, %arg21: memref<!tpu.dma_semaphore, #tpu.memory_space<semaphore_mem>>, %arg22: memref<!tpu.dma_semaphore, #tpu.memory_space<semaphore_mem>>, %arg23: memref<!tpu.dma_semaphore, #tpu.memory_space<semaphore_mem>>, %arg24: memref<!tpu.dma_semaphore, #tpu.memory_space<semaphore_mem>>, %arg25: memref<!tpu.dma_semaphore, #tpu.memory_space<semaphore_mem>>) attributes {dimension_semantics = [#tpu.dimension_semantics<core_parallel>, #tpu.dimension_semantics<subcore_parallel>], iteration_bounds = array<i64: 2, 16>, scalar_prefetch = 0 : i64, scratch_operands = 17 : i64, tpu.core_type = #tpu.core_type<sc_vector_subcore>, window_params = [{transform_indices = #map}, {transform_indices = #map1}, {transform_indices = #map1}, {transform_indices = #map1}, {transform_indices = #map1}, {transform_indices = #map2}, {transform_indices = #map}]} {
    %mul3A = arith.constant 2 : i32
    %mul3A_0 = arith.muli %arg1, %mul3A : i32
    %add3A = arith.addi %mul3A_0, %arg0 : i32
    %mul3A_1 = arith.constant 10240 : i32
    %mul3A_2 = arith.muli %add3A, %mul3A_1 : i32
    "tpu.region"() ({
      %run_scoped3A = tpu.sem_alloc : memref<!tpu.dma_semaphore, #tpu.memory_space<semaphore_mem>>
      tpu.enqueue_dma source(%arg6 : memref<16xi32, #tpu.memory_space<hbm>>) target(%arg18 : memref<16xi32, #tpu.memory_space<vmem>>) target_semaphore(%run_scoped3A : memref<!tpu.dma_semaphore, #tpu.memory_space<semaphore_mem>>)
      tpu.wait_dma2 semaphore(%run_scoped3A : memref<!tpu.dma_semaphore, #tpu.memory_space<semaphore_mem>>) src(%arg6 : memref<16xi32, #tpu.memory_space<hbm>>) dst(%arg18 : memref<16xi32, #tpu.memory_space<vmem>>)
      tpu.yield
    }) : () -> ()
    %scan3A = arith.constant 0 : i32
    %scan3A_3 = arith.constant 0 : i32
    %scan3A_4 = arith.constant 512 : i32
    %scan3A_5 = arith.addi %scan3A_3, %scan3A_4 : i32
    %scan3A_6 = arith.constant 1 : i32
    scf.for %scan3A_163 = %scan3A_3 to %scan3A_5 step %scan3A_6  : i32 {
      %broadcast_in_dim3A = arith.constant 0.000000e+00 : f32
      %broadcast_in_dim3A_164 = vector.broadcast %broadcast_in_dim3A : f32 to vector<16xf32>
      %jit3A_165 = arith.constant 8 : i32
      %div3A_166 = arith.divsi %scan3A_163, %jit3A_165 : i32
      %sign3A_167 = arith.constant 0 : i32
      %sign3A_168 = arith.cmpi sgt, %scan3A_163, %sign3A_167 : i32
      %sign3A_169 = arith.extui %sign3A_168 : i1 to i32
      %sign3A_170 = arith.constant 0 : i32
      %sign3A_171 = arith.cmpi slt, %scan3A_163, %sign3A_170 : i32
      %sign3A_172 = arith.extui %sign3A_171 : i1 to i32
      %sign3A_173 = arith.subi %sign3A_169, %sign3A_172 : i32
      %sign3A_174 = arith.constant 0 : i32
      %sign3A_175 = arith.cmpi sgt, %jit3A_165, %sign3A_174 : i32
      %sign3A_176 = arith.extui %sign3A_175 : i1 to i32
      %sign3A_177 = arith.constant 0 : i32
      %sign3A_178 = arith.cmpi slt, %jit3A_165, %sign3A_177 : i32
      %sign3A_179 = arith.extui %sign3A_178 : i1 to i32
      %sign3A_180 = arith.subi %sign3A_176, %sign3A_179 : i32
      %ne3A_181 = arith.cmpi ne, %sign3A_173, %sign3A_180 : i32
      %rem3A_182 = arith.remsi %scan3A_163, %jit3A_165 : i32
      %ne3A_183 = arith.constant 0 : i32
      %ne3A_184 = arith.cmpi ne, %rem3A_182, %ne3A_183 : i32
      %and3A_185 = arith.andi %ne3A_181, %ne3A_184 : i1
      %sub3A_186 = arith.constant 1 : i32
      %sub3A_187 = arith.subi %div3A_166, %sub3A_186 : i32
      %select_n3A_188 = arith.select %and3A_185, %sub3A_187, %div3A_166 : i32
      %jit3A_189 = arith.constant 8 : i32
      %eq3A = arith.constant 0 : i32
      %eq3A_190 = arith.cmpi eq, %jit3A_189, %eq3A : i32
      %jit3A_191 = arith.constant 1 : i32
      %select_n3A_192 = arith.select %eq3A_190, %jit3A_191, %jit3A_189 : i32
      %rem3A_193 = arith.remsi %scan3A_163, %select_n3A_192 : i32
      %ne3A_194 = arith.constant 0 : i32
      %ne3A_195 = arith.cmpi ne, %rem3A_193, %ne3A_194 : i32
      %lt3A_196 = arith.constant 0 : i32
      %lt3A_197 = arith.cmpi slt, %rem3A_193, %lt3A_196 : i32
      %lt3A_198 = arith.constant 0 : i32
      %lt3A_199 = arith.cmpi slt, %select_n3A_192, %lt3A_198 : i32
      %ne3A_200 = arith.xori %lt3A_197, %lt3A_199 : i1
      %and3A_201 = arith.andi %ne3A_200, %ne3A_195 : i1
      %add3A_202 = arith.addi %rem3A_193, %select_n3A_192 : i32
      %select_n3A_203 = arith.select %and3A_201, %add3A_202, %rem3A_193 : i32
      %mul3A_204 = arith.constant 16 : i32
      %mul3A_205 = arith.muli %select_n3A_203, %mul3A_204 : i32
      %swap3A = arith.index_cast %select_n3A_188 : i32 to index
      %swap3A_206 = arith.index_cast %mul3A_205 : i32 to index
      %swap3A_207 = tpu.vector_load %arg14[%swap3A, %swap3A_206] {strides = array<i32>} : memref<64x128xf32, #tpu.memory_space<vmem>>, vector<1x16xf32>,
      %swap3A_208 = vector.shape_cast %swap3A_207 : vector<1x16xf32> to vector<16xf32>
      %swap3A_209 = vector.shape_cast %broadcast_in_dim3A_164 : vector<16xf32> to vector<1x16xf32>
      tpu.vector_store %arg14[%swap3A, %swap3A_206], %swap3A_209 {strides = array<i32>} : memref<64x128xf32, #tpu.memory_space<vmem>>, vector<1x16xf32>,
    }
    %scan3A_7 = arith.constant 512 : i32
    %scan3A_8 = arith.constant 0 : i32
    %scan3A_9 = arith.constant 0 : i32
    %scan3A_10 = arith.constant 40 : i32
    %scan3A_11 = arith.addi %scan3A_9, %scan3A_10 : i32
    %scan3A_12 = arith.constant 1 : i32
    scf.for %scan3A_163 = %scan3A_9 to %scan3A_11 step %scan3A_12  : i32 {
      %broadcast_in_dim3A = arith.constant 0.000000e+00 : f32
      %broadcast_in_dim3A_164 = vector.broadcast %broadcast_in_dim3A : f32 to vector<16xf32>
      %mul3A_165 = arith.constant 16 : i32
      %mul3A_166 = arith.muli %scan3A_163, %mul3A_165 : i32
      %swap3A = arith.index_cast %mul3A_166 : i32 to index
      %swap3A_167 = tpu.vector_load %arg17[%swap3A] {strides = array<i32>} : memref<640xf32, #tpu.memory_space<vmem>>, vector<16xf32>,
      %swap3A_168 = vector.shape_cast %swap3A_167 : vector<16xf32> to vector<16xf32>
      %swap3A_169 = vector.shape_cast %broadcast_in_dim3A_164 : vector<16xf32> to vector<16xf32>
      tpu.vector_store %arg17[%swap3A], %swap3A_169 {strides = array<i32>} : memref<640xf32, #tpu.memory_space<vmem>>, vector<16xf32>,
    }
    %scan3A_13 = arith.constant 40 : i32
    %mul3A_14 = arith.constant 632 : i32
    %mul3A_15 = arith.muli %arg1, %mul3A_14 : i32
    %scan3A_16 = arith.constant 0 : i32
    %scan3A_17 = arith.constant 0 : i32
    %scan3A_18 = arith.constant 9 : i32
    %scan3A_19 = arith.addi %scan3A_17, %scan3A_18 : i32
    %scan3A_20 = arith.constant 1 : i32
    scf.for %scan3A_163 = %scan3A_17 to %scan3A_19 step %scan3A_20  : i32 {
      %mul3A_164 = arith.constant 64 : i32
      %mul3A_165 = arith.muli %scan3A_163, %mul3A_164 : i32
      %add3A_166 = arith.addi %mul3A_15, %mul3A_165 : i32
      %dma_start3A_167 = arith.constant 0 : i32
      %dma_start3A_168 = tpu.memref_slice %arg19[%add3A_166, %dma_start3A_167] : memref<10112x128xf32, #tpu.memory_space<vmem_shared>> -> memref<64x128xf32, #tpu.memory_space<vmem_shared>>
      %dma_start3A_169 = arith.constant 0 : i32
      %dma_start3A_170 = tpu.memref_slice %arg19[%add3A_166, %dma_start3A_169] : memref<10112x128xf32, #tpu.memory_space<vmem_shared>> -> memref<64x128xf32, #tpu.memory_space<vmem_shared>>
      tpu.enqueue_dma source(%arg14 : memref<64x128xf32, #tpu.memory_space<vmem>>) target(%dma_start3A_170 : memref<64x128xf32, #tpu.memory_space<vmem_shared>>) target_semaphore(%arg24 : memref<!tpu.dma_semaphore, #tpu.memory_space<semaphore_mem>>)
    }
    %scan3A_21 = arith.constant 9 : i32
    %add3A_22 = arith.constant 576 : i32
    %add3A_23 = arith.addi %mul3A_15, %add3A_22 : i32
    %dma_start3A = arith.constant 0 : i32
    %dma_start3A_24 = arith.constant 0 : i32
    %dma_start3A_25 = tpu.memref_slice %arg14[%dma_start3A, %dma_start3A_24] : memref<64x128xf32, #tpu.memory_space<vmem>> -> memref<56x128xf32, #tpu.memory_space<vmem>>
    %dma_start3A_26 = arith.constant 0 : i32
    %dma_start3A_27 = tpu.memref_slice %arg19[%add3A_23, %dma_start3A_26] : memref<10112x128xf32, #tpu.memory_space<vmem_shared>> -> memref<56x128xf32, #tpu.memory_space<vmem_shared>>
    %dma_start3A_28 = arith.constant 0 : i32
    %dma_start3A_29 = tpu.memref_slice %arg19[%add3A_23, %dma_start3A_28] : memref<10112x128xf32, #tpu.memory_space<vmem_shared>> -> memref<56x128xf32, #tpu.memory_space<vmem_shared>>
    %dma_start3A_30 = arith.constant 0 : i32
    %dma_start3A_31 = arith.constant 0 : i32
    %dma_start3A_32 = tpu.memref_slice %arg14[%dma_start3A_30, %dma_start3A_31] : memref<64x128xf32, #tpu.memory_space<vmem>> -> memref<56x128xf32, #tpu.memory_space<vmem>>
    tpu.enqueue_dma source(%dma_start3A_32 : memref<56x128xf32, #tpu.memory_space<vmem>>) target(%dma_start3A_29 : memref<56x128xf32, #tpu.memory_space<vmem_shared>>) target_semaphore(%arg24 : memref<!tpu.dma_semaphore, #tpu.memory_space<semaphore_mem>>)
    %mul3A_33 = arith.constant 640 : i32
    %mul3A_34 = arith.muli %arg1, %mul3A_33 : i32
    %dma_start3A_35 = tpu.memref_slice %arg20[%mul3A_34] : memref<10240xf32, #tpu.memory_space<vmem_shared>> -> memref<640xf32, #tpu.memory_space<vmem_shared>>
    %dma_start3A_36 = tpu.memref_slice %arg20[%mul3A_34] : memref<10240xf32, #tpu.memory_space<vmem_shared>> -> memref<640xf32, #tpu.memory_space<vmem_shared>>
    tpu.enqueue_dma source(%arg17 : memref<640xf32, #tpu.memory_space<vmem>>) target(%dma_start3A_36 : memref<640xf32, #tpu.memory_space<vmem_shared>>) target_semaphore(%arg24 : memref<!tpu.dma_semaphore, #tpu.memory_space<semaphore_mem>>)
    %scan3A_37 = arith.constant 0 : i32
    %scan3A_38 = arith.constant 0 : i32
    %scan3A_39 = arith.constant 8 : i32
    %scan3A_40 = arith.addi %scan3A_38, %scan3A_39 : i32
    %scan3A_41 = arith.constant 1 : i32
    scf.for %scan3A_163 = %scan3A_38 to %scan3A_40 step %scan3A_41  : i32 {
      %broadcast_in_dim3A = arith.constant 1.000000e+00 : f32
      %broadcast_in_dim3A_164 = vector.broadcast %broadcast_in_dim3A : f32 to vector<16xf32>
      %mul3A_165 = arith.constant 16 : i32
      %mul3A_166 = arith.muli %scan3A_163, %mul3A_165 : i32
      %swap3A = arith.index_cast %mul3A_166 : i32 to index
      %swap3A_167 = tpu.vector_load %arg16[%swap3A] {strides = array<i32>} : memref<128xf32, #tpu.memory_space<vmem>>, vector<16xf32>,
      %swap3A_168 = vector.shape_cast %swap3A_167 : vector<16xf32> to vector<16xf32>
      %swap3A_169 = vector.shape_cast %broadcast_in_dim3A_164 : vector<16xf32> to vector<16xf32>
      tpu.vector_store %arg16[%swap3A], %swap3A_169 {strides = array<i32>} : memref<128xf32, #tpu.memory_space<vmem>>, vector<16xf32>,
    }
    %scan3A_42 = arith.constant 8 : i32
    %get3A = arith.constant 0 : index
    %get3A_43 = tpu.vector_load %arg18[%get3A] {strides = array<i32>} : memref<16xi32, #tpu.memory_space<vmem>>, vector<16xi32>,
    %get3A_44 = vector.shape_cast %get3A_43 : vector<16xi32> to vector<16xi32>
    %slice3A = vector.extract_strided_slice %get3A_44 {offsets = [0], sizes = [1], strides = [1]} : vector<16xi32> to vector<1xi32>
    %squeeze3A = vector.extract %slice3A[0] : i32 from vector<1xi32>
    %scan3A_45 = arith.constant 0 : i32
    %scan3A_46 = arith.constant 0 : i32
    %scan3A_47 = arith.constant 8 : i32
    %scan3A_48 = arith.addi %scan3A_46, %scan3A_47 : i32
    %scan3A_49 = arith.constant 1 : i32
    %scan3A_50 = scf.for %scan3A_163 = %scan3A_46 to %scan3A_48 step %scan3A_49 iter_args(%scan3A_164 = %scan3A_45) -> (i32)  : i32 {
      %mul3A_165 = arith.constant 1280 : i32
      %mul3A_166 = arith.muli %scan3A_163, %mul3A_165 : i32
      %add3A_167 = arith.addi %mul3A_2, %mul3A_166 : i32
      %dma_start3A_168 = tpu.memref_slice %arg3[%add3A_167] : memref<327680xi32, #tpu.memory_space<hbm>> -> memref<1280xi32, #tpu.memory_space<hbm>>
      %dma_start3A_169 = tpu.memref_slice %arg3[%add3A_167] : memref<327680xi32, #tpu.memory_space<hbm>> -> memref<1280xi32, #tpu.memory_space<hbm>>
      tpu.enqueue_dma source(%dma_start3A_169 : memref<1280xi32, #tpu.memory_space<hbm>>) target(%arg9 : memref<1280xi32, #tpu.memory_space<vmem>>) target_semaphore(%arg25 : memref<!tpu.dma_semaphore, #tpu.memory_space<semaphore_mem>>)
      %mul3A_170 = arith.constant 1280 : i32
      %mul3A_171 = arith.muli %scan3A_163, %mul3A_170 : i32
      %add3A_172 = arith.addi %mul3A_2, %mul3A_171 : i32
      %dma_start3A_173 = tpu.memref_slice %arg4[%add3A_172] : memref<327680xi32, #tpu.memory_space<hbm>> -> memref<1280xi32, #tpu.memory_space<hbm>>
      %dma_start3A_174 = tpu.memref_slice %arg4[%add3A_172] : memref<327680xi32, #tpu.memory_space<hbm>> -> memref<1280xi32, #tpu.memory_space<hbm>>
      tpu.enqueue_dma source(%dma_start3A_174 : memref<1280xi32, #tpu.memory_space<hbm>>) target(%arg10 : memref<1280xi32, #tpu.memory_space<vmem>>) target_semaphore(%arg25 : memref<!tpu.dma_semaphore, #tpu.memory_space<semaphore_mem>>)
      %mul3A_175 = arith.constant 1280 : i32
      %mul3A_176 = arith.muli %scan3A_163, %mul3A_175 : i32
      %add3A_177 = arith.addi %mul3A_2, %mul3A_176 : i32
      %dma_start3A_178 = tpu.memref_slice %arg5[%add3A_177] : memref<327680xi32, #tpu.memory_space<hbm>> -> memref<1280xi32, #tpu.memory_space<hbm>>
      %dma_start3A_179 = tpu.memref_slice %arg5[%add3A_177] : memref<327680xi32, #tpu.memory_space<hbm>> -> memref<1280xi32, #tpu.memory_space<hbm>>
      tpu.enqueue_dma source(%dma_start3A_179 : memref<1280xi32, #tpu.memory_space<hbm>>) target(%arg11 : memref<1280xi32, #tpu.memory_space<vmem>>) target_semaphore(%arg25 : memref<!tpu.dma_semaphore, #tpu.memory_space<semaphore_mem>>)
      %mul3A_180 = arith.constant 1280 : i32
      %mul3A_181 = arith.muli %scan3A_163, %mul3A_180 : i32
      %add3A_182 = arith.addi %mul3A_2, %mul3A_181 : i32
      %dma_wait3A_183 = tpu.memref_slice %arg3[%add3A_182] : memref<327680xi32, #tpu.memory_space<hbm>> -> memref<1280xi32, #tpu.memory_space<hbm>>
      %dma_wait3A_184 = tpu.memref_slice %arg3[%add3A_182] : memref<327680xi32, #tpu.memory_space<hbm>> -> memref<1280xi32, #tpu.memory_space<hbm>>
      tpu.wait_dma2 semaphore(%arg25 : memref<!tpu.dma_semaphore, #tpu.memory_space<semaphore_mem>>) src(%dma_wait3A_184 : memref<1280xi32, #tpu.memory_space<hbm>>) dst(%arg9 : memref<1280xi32, #tpu.memory_space<vmem>>)
      %mul3A_185 = arith.constant 1280 : i32
      %mul3A_186 = arith.muli %scan3A_163, %mul3A_185 : i32
      %add3A_187 = arith.addi %mul3A_2, %mul3A_186 : i32
      %dma_wait3A_188 = tpu.memref_slice %arg4[%add3A_187] : memref<327680xi32, #tpu.memory_space<hbm>> -> memref<1280xi32, #tpu.memory_space<hbm>>
      %dma_wait3A_189 = tpu.memref_slice %arg4[%add3A_187] : memref<327680xi32, #tpu.memory_space<hbm>> -> memref<1280xi32, #tpu.memory_space<hbm>>
      tpu.wait_dma2 semaphore(%arg25 : memref<!tpu.dma_semaphore, #tpu.memory_space<semaphore_mem>>) src(%dma_wait3A_189 : memref<1280xi32, #tpu.memory_space<hbm>>) dst(%arg10 : memref<1280xi32, #tpu.memory_space<vmem>>)
      %mul3A_190 = arith.constant 1280 : i32
      %mul3A_191 = arith.muli %scan3A_163, %mul3A_190 : i32
      %add3A_192 = arith.addi %mul3A_2, %mul3A_191 : i32
      %dma_wait3A_193 = tpu.memref_slice %arg5[%add3A_192] : memref<327680xi32, #tpu.memory_space<hbm>> -> memref<1280xi32, #tpu.memory_space<hbm>>
      %dma_wait3A_194 = tpu.memref_slice %arg5[%add3A_192] : memref<327680xi32, #tpu.memory_space<hbm>> -> memref<1280xi32, #tpu.memory_space<hbm>>
      tpu.wait_dma2 semaphore(%arg25 : memref<!tpu.dma_semaphore, #tpu.memory_space<semaphore_mem>>) src(%dma_wait3A_194 : memref<1280xi32, #tpu.memory_space<hbm>>) dst(%arg11 : memref<1280xi32, #tpu.memory_space<vmem>>)
      %scan3A_195 = arith.constant 0 : i32
      %scan3A_196 = arith.constant 80 : i32
      %scan3A_197 = arith.addi %scan3A_195, %scan3A_196 : i32
      %scan3A_198 = arith.constant 1 : i32
      %scan3A_199 = scf.for %scan3A_201 = %scan3A_195 to %scan3A_197 step %scan3A_198 iter_args(%scan3A_202 = %scan3A_164) -> (i32)  : i32 {
        %mul3A_203 = arith.constant 16 : i32
        %mul3A_204 = arith.muli %scan3A_201, %mul3A_203 : i32
        %get3A_205 = arith.index_cast %mul3A_204 : i32 to index
        %get3A_206 = tpu.vector_load %arg11[%get3A_205] {strides = array<i32>} : memref<1280xi32, #tpu.memory_space<vmem>>, vector<16xi32>,
        %get3A_207 = vector.shape_cast %get3A_206 : vector<16xi32> to vector<16xi32>
        %mul3A_208 = arith.constant 16 : i32
        %mul3A_209 = arith.muli %scan3A_201, %mul3A_208 : i32
        %get3A_210 = arith.index_cast %mul3A_209 : i32 to index
        %get3A_211 = tpu.vector_load %arg9[%get3A_210] {strides = array<i32>} : memref<1280xi32, #tpu.memory_space<vmem>>, vector<16xi32>,
        %get3A_212 = vector.shape_cast %get3A_211 : vector<16xi32> to vector<16xi32>
        %mul3A_213 = arith.constant 16 : i32
        %mul3A_214 = arith.muli %scan3A_201, %mul3A_213 : i32
        %get3A_215 = arith.index_cast %mul3A_214 : i32 to index
        %get3A_216 = tpu.vector_load %arg10[%get3A_215] {strides = array<i32>} : memref<1280xi32, #tpu.memory_space<vmem>>, vector<16xi32>,
        %get3A_217 = vector.shape_cast %get3A_216 : vector<16xi32> to vector<16xi32>
        %slice3A_218 = vector.extract_strided_slice %get3A_212 {offsets = [0], sizes = [1], strides = [1]} : vector<16xi32> to vector<1xi32>
        %squeeze3A_219 = vector.extract %slice3A_218[0] : i32 from vector<1xi32>
        %slice3A_220 = vector.extract_strided_slice %get3A_217 {offsets = [0], sizes = [1], strides = [1]} : vector<16xi32> to vector<1xi32>
        %squeeze3A_221 = vector.extract %slice3A_220[0] : i32 from vector<1xi32>
        %shift_left3A = arith.constant 14 : i32
        %shift_left3A_222 = arith.shli %squeeze3A_221, %shift_left3A : i32
        %or3A = arith.ori %squeeze3A_219, %shift_left3A_222 : i32
        %broadcast_in_dim3A = vector.broadcast %or3A : i32 to vector<16xi32>
        %swap3A = arith.index_cast %scan3A_202 : i32 to index
        %swap3A_223 = tpu.vector_load %arg13[%swap3A] {strides = array<i32>} : memref<10368xi32, #tpu.memory_space<vmem>>, vector<16xi32>,
        %swap3A_224 = vector.shape_cast %swap3A_223 : vector<16xi32> to vector<16xi32>
        %swap3A_225 = vector.shape_cast %broadcast_in_dim3A : vector<16xi32> to vector<16xi32>
        tpu.vector_store %arg13[%swap3A], %swap3A_225 {strides = array<i32>} : memref<10368xi32, #tpu.memory_space<vmem>>, vector<16xi32>,
        %slice3A_226 = vector.extract_strided_slice %get3A_207 {offsets = [0], sizes = [1], strides = [1]} : vector<16xi32> to vector<1xi32>
        %squeeze3A_227 = vector.extract %slice3A_226[0] : i32 from vector<1xi32>
        %eq3A = arith.cmpi eq, %squeeze3A_227, %squeeze3A : i32
        %jit3A_228 = arith.constant 1 : i32
        %jit3A_229 = arith.constant 0 : i32
        %select_n3A_230 = arith.select %eq3A, %jit3A_228, %jit3A_229 : i32
        %add3A_231 = arith.addi %scan3A_202, %select_n3A_230 : i32
        %slice3A_232 = vector.extract_strided_slice %get3A_212 {offsets = [1], sizes = [1], strides = [1]} : vector<16xi32> to vector<1xi32>
        %squeeze3A_233 = vector.extract %slice3A_232[0] : i32 from vector<1xi32>
        %slice3A_234 = vector.extract_strided_slice %get3A_217 {offsets = [1], sizes = [1], strides = [1]} : vector<16xi32> to vector<1xi32>
        %squeeze3A_235 = vector.extract %slice3A_234[0] : i32 from vector<1xi32>
        %shift_left3A_236 = arith.constant 14 : i32
        %shift_left3A_237 = arith.shli %squeeze3A_235, %shift_left3A_236 : i32
        %or3A_238 = arith.ori %squeeze3A_233, %shift_left3A_237 : i32
        %broadcast_in_dim3A_239 = vector.broadcast %or3A_238 : i32 to vector<16xi32>
        %swap3A_240 = arith.index_cast %add3A_231 : i32 to index
        %swap3A_241 = tpu.vector_load %arg13[%swap3A_240] {strides = array<i32>} : memref<10368xi32, #tpu.memory_space<vmem>>, vector<16xi32>,
        %swap3A_242 = vector.shape_cast %swap3A_241 : vector<16xi32> to vector<16xi32>
        %swap3A_243 = vector.shape_cast %broadcast_in_dim3A_239 : vector<16xi32> to vector<16xi32>
        tpu.vector_store %arg13[%swap3A_240], %swap3A_243 {strides = array<i32>} : memref<10368xi32, #tpu.memory_space<vmem>>, vector<16xi32>,
        %slice3A_244 = vector.extract_strided_slice %get3A_207 {offsets = [1], sizes = [1], strides = [1]} : vector<16xi32> to vector<1xi32>
        %squeeze3A_245 = vector.extract %slice3A_244[0] : i32 from vector<1xi32>
        %eq3A_246 = arith.cmpi eq, %squeeze3A_245, %squeeze3A : i32
        %jit3A_247 = arith.constant 1 : i32
        %jit3A_248 = arith.constant 0 : i32
        %select_n3A_249 = arith.select %eq3A_246, %jit3A_247, %jit3A_248 : i32
        %add3A_250 = arith.addi %add3A_231, %select_n3A_249 : i32
        %slice3A_251 = vector.extract_strided_slice %get3A_212 {offsets = [2], sizes = [1], strides = [1]} : vector<16xi32> to vector<1xi32>
        %squeeze3A_252 = vector.extract %slice3A_251[0] : i32 from vector<1xi32>
        %slice3A_253 = vector.extract_strided_slice %get3A_217 {offsets = [2], sizes = [1], strides = [1]} : vector<16xi32> to vector<1xi32>
        %squeeze3A_254 = vector.extract %slice3A_253[0] : i32 from vector<1xi32>
        %shift_left3A_255 = arith.constant 14 : i32
        %shift_left3A_256 = arith.shli %squeeze3A_254, %shift_left3A_255 : i32
        %or3A_257 = arith.ori %squeeze3A_252, %shift_left3A_256 : i32
        %broadcast_in_dim3A_258 = vector.broadcast %or3A_257 : i32 to vector<16xi32>
        %swap3A_259 = arith.index_cast %add3A_250 : i32 to index
        %swap3A_260 = tpu.vector_load %arg13[%swap3A_259] {strides = array<i32>} : memref<10368xi32, #tpu.memory_space<vmem>>, vector<16xi32>,
        %swap3A_261 = vector.shape_cast %swap3A_260 : vector<16xi32> to vector<16xi32>
        %swap3A_262 = vector.shape_cast %broadcast_in_dim3A_258 : vector<16xi32> to vector<16xi32>
        tpu.vector_store %arg13[%swap3A_259], %swap3A_262 {strides = array<i32>} : memref<10368xi32, #tpu.memory_space<vmem>>, vector<16xi32>,
        %slice3A_263 = vector.extract_strided_slice %get3A_207 {offsets = [2], sizes = [1], strides = [1]} : vector<16xi32> to vector<1xi32>
        %squeeze3A_264 = vector.extract %slice3A_263[0] : i32 from vector<1xi32>
        %eq3A_265 = arith.cmpi eq, %squeeze3A_264, %squeeze3A : i32
        %jit3A_266 = arith.constant 1 : i32
        %jit3A_267 = arith.constant 0 : i32
        %select_n3A_268 = arith.select %eq3A_265, %jit3A_266, %jit3A_267 : i32
        %add3A_269 = arith.addi %add3A_250, %select_n3A_268 : i32
        %slice3A_270 = vector.extract_strided_slice %get3A_212 {offsets = [3], sizes = [1], strides = [1]} : vector<16xi32> to vector<1xi32>
        %squeeze3A_271 = vector.extract %slice3A_270[0] : i32 from vector<1xi32>
        %slice3A_272 = vector.extract_strided_slice %get3A_217 {offsets = [3], sizes = [1], strides = [1]} : vector<16xi32> to vector<1xi32>
        %squeeze3A_273 = vector.extract %slice3A_272[0] : i32 from vector<1xi32>
        %shift_left3A_274 = arith.constant 14 : i32
        %shift_left3A_275 = arith.shli %squeeze3A_273, %shift_left3A_274 : i32
        %or3A_276 = arith.ori %squeeze3A_271, %shift_left3A_275 : i32
        %broadcast_in_dim3A_277 = vector.broadcast %or3A_276 : i32 to vector<16xi32>
        %swap3A_278 = arith.index_cast %add3A_269 : i32 to index
        %swap3A_279 = tpu.vector_load %arg13[%swap3A_278] {strides = array<i32>} : memref<10368xi32, #tpu.memory_space<vmem>>, vector<16xi32>,
        %swap3A_280 = vector.shape_cast %swap3A_279 : vector<16xi32> to vector<16xi32>
        %swap3A_281 = vector.shape_cast %broadcast_in_dim3A_277 : vector<16xi32> to vector<16xi32>
        tpu.vector_store %arg13[%swap3A_278], %swap3A_281 {strides = array<i32>} : memref<10368xi32, #tpu.memory_space<vmem>>, vector<16xi32>,
        %slice3A_282 = vector.extract_strided_slice %get3A_207 {offsets = [3], sizes = [1], strides = [1]} : vector<16xi32> to vector<1xi32>
        %squeeze3A_283 = vector.extract %slice3A_282[0] : i32 from vector<1xi32>
        %eq3A_284 = arith.cmpi eq, %squeeze3A_283, %squeeze3A : i32
        %jit3A_285 = arith.constant 1 : i32
        %jit3A_286 = arith.constant 0 : i32
        %select_n3A_287 = arith.select %eq3A_284, %jit3A_285, %jit3A_286 : i32
        %add3A_288 = arith.addi %add3A_269, %select_n3A_287 : i32
        %slice3A_289 = vector.extract_strided_slice %get3A_212 {offsets = [4], sizes = [1], strides = [1]} : vector<16xi32> to vector<1xi32>
        %squeeze3A_290 = vector.extract %slice3A_289[0] : i32 from vector<1xi32>
        %slice3A_291 = vector.extract_strided_slice %get3A_217 {offsets = [4], sizes = [1], strides = [1]} : vector<16xi32> to vector<1xi32>
        %squeeze3A_292 = vector.extract %slice3A_291[0] : i32 from vector<1xi32>
        %shift_left3A_293 = arith.constant 14 : i32
        %shift_left3A_294 = arith.shli %squeeze3A_292, %shift_left3A_293 : i32
        %or3A_295 = arith.ori %squeeze3A_290, %shift_left3A_294 : i32
        %broadcast_in_dim3A_296 = vector.broadcast %or3A_295 : i32 to vector<16xi32>
        %swap3A_297 = arith.index_cast %add3A_288 : i32 to index
        %swap3A_298 = tpu.vector_load %arg13[%swap3A_297] {strides = array<i32>} : memref<10368xi32, #tpu.memory_space<vmem>>, vector<16xi32>,
        %swap3A_299 = vector.shape_cast %swap3A_298 : vector<16xi32> to vector<16xi32>
        %swap3A_300 = vector.shape_cast %broadcast_in_dim3A_296 : vector<16xi32> to vector<16xi32>
        tpu.vector_store %arg13[%swap3A_297], %swap3A_300 {strides = array<i32>} : memref<10368xi32, #tpu.memory_space<vmem>>, vector<16xi32>,
        %slice3A_301 = vector.extract_strided_slice %get3A_207 {offsets = [4], sizes = [1], strides = [1]} : vector<16xi32> to vector<1xi32>
        %squeeze3A_302 = vector.extract %slice3A_301[0] : i32 from vector<1xi32>
        %eq3A_303 = arith.cmpi eq, %squeeze3A_302, %squeeze3A : i32
        %jit3A_304 = arith.constant 1 : i32
        %jit3A_305 = arith.constant 0 : i32
        %select_n3A_306 = arith.select %eq3A_303, %jit3A_304, %jit3A_305 : i32
        %add3A_307 = arith.addi %add3A_288, %select_n3A_306 : i32
        %slice3A_308 = vector.extract_strided_slice %get3A_212 {offsets = [5], sizes = [1], strides = [1]} : vector<16xi32> to vector<1xi32>
        %squeeze3A_309 = vector.extract %slice3A_308[0] : i32 from vector<1xi32>
        %slice3A_310 = vector.extract_strided_slice %get3A_217 {offsets = [5], sizes = [1], strides = [1]} : vector<16xi32> to vector<1xi32>
        %squeeze3A_311 = vector.extract %slice3A_310[0] : i32 from vector<1xi32>
        %shift_left3A_312 = arith.constant 14 : i32
        %shift_left3A_313 = arith.shli %squeeze3A_311, %shift_left3A_312 : i32
        %or3A_314 = arith.ori %squeeze3A_309, %shift_left3A_313 : i32
        %broadcast_in_dim3A_315 = vector.broadcast %or3A_314 : i32 to vector<16xi32>
        %swap3A_316 = arith.index_cast %add3A_307 : i32 to index
        %swap3A_317 = tpu.vector_load %arg13[%swap3A_316] {strides = array<i32>} : memref<10368xi32, #tpu.memory_space<vmem>>, vector<16xi32>,
        %swap3A_318 = vector.shape_cast %swap3A_317 : vector<16xi32> to vector<16xi32>
        %swap3A_319 = vector.shape_cast %broadcast_in_dim3A_315 : vector<16xi32> to vector<16xi32>
        tpu.vector_store %arg13[%swap3A_316], %swap3A_319 {strides = array<i32>} : memref<10368xi32, #tpu.memory_space<vmem>>, vector<16xi32>,
        %slice3A_320 = vector.extract_strided_slice %get3A_207 {offsets = [5], sizes = [1], strides = [1]} : vector<16xi32> to vector<1xi32>
        %squeeze3A_321 = vector.extract %slice3A_320[0] : i32 from vector<1xi32>
        %eq3A_322 = arith.cmpi eq, %squeeze3A_321, %squeeze3A : i32
        %jit3A_323 = arith.constant 1 : i32
        %jit3A_324 = arith.constant 0 : i32
        %select_n3A_325 = arith.select %eq3A_322, %jit3A_323, %jit3A_324 : i32
        %add3A_326 = arith.addi %add3A_307, %select_n3A_325 : i32
        %slice3A_327 = vector.extract_strided_slice %get3A_212 {offsets = [6], sizes = [1], strides = [1]} : vector<16xi32> to vector<1xi32>
        %squeeze3A_328 = vector.extract %slice3A_327[0] : i32 from vector<1xi32>
        %slice3A_329 = vector.extract_strided_slice %get3A_217 {offsets = [6], sizes = [1], strides = [1]} : vector<16xi32> to vector<1xi32>
        %squeeze3A_330 = vector.extract %slice3A_329[0] : i32 from vector<1xi32>
        %shift_left3A_331 = arith.constant 14 : i32
        %shift_left3A_332 = arith.shli %squeeze3A_330, %shift_left3A_331 : i32
        %or3A_333 = arith.ori %squeeze3A_328, %shift_left3A_332 : i32
        %broadcast_in_dim3A_334 = vector.broadcast %or3A_333 : i32 to vector<16xi32>
        %swap3A_335 = arith.index_cast %add3A_326 : i32 to index
        %swap3A_336 = tpu.vector_load %arg13[%swap3A_335] {strides = array<i32>} : memref<10368xi32, #tpu.memory_space<vmem>>, vector<16xi32>,
        %swap3A_337 = vector.shape_cast %swap3A_336 : vector<16xi32> to vector<16xi32>
        %swap3A_338 = vector.shape_cast %broadcast_in_dim3A_334 : vector<16xi32> to vector<16xi32>
        tpu.vector_store %arg13[%swap3A_335], %swap3A_338 {strides = array<i32>} : memref<10368xi32, #tpu.memory_space<vmem>>, vector<16xi32>,
        %slice3A_339 = vector.extract_strided_slice %get3A_207 {offsets = [6], sizes = [1], strides = [1]} : vector<16xi32> to vector<1xi32>
        %squeeze3A_340 = vector.extract %slice3A_339[0] : i32 from vector<1xi32>
        %eq3A_341 = arith.cmpi eq, %squeeze3A_340, %squeeze3A : i32
        %jit3A_342 = arith.constant 1 : i32
        %jit3A_343 = arith.constant 0 : i32
        %select_n3A_344 = arith.select %eq3A_341, %jit3A_342, %jit3A_343 : i32
        %add3A_345 = arith.addi %add3A_326, %select_n3A_344 : i32
        %slice3A_346 = vector.extract_strided_slice %get3A_212 {offsets = [7], sizes = [1], strides = [1]} : vector<16xi32> to vector<1xi32>
        %squeeze3A_347 = vector.extract %slice3A_346[0] : i32 from vector<1xi32>
        %slice3A_348 = vector.extract_strided_slice %get3A_217 {offsets = [7], sizes = [1], strides = [1]} : vector<16xi32> to vector<1xi32>
        %squeeze3A_349 = vector.extract %slice3A_348[0] : i32 from vector<1xi32>
        %shift_left3A_350 = arith.constant 14 : i32
        %shift_left3A_351 = arith.shli %squeeze3A_349, %shift_left3A_350 : i32
        %or3A_352 = arith.ori %squeeze3A_347, %shift_left3A_351 : i32
        %broadcast_in_dim3A_353 = vector.broadcast %or3A_352 : i32 to vector<16xi32>
        %swap3A_354 = arith.index_cast %add3A_345 : i32 to index
        %swap3A_355 = tpu.vector_load %arg13[%swap3A_354] {strides = array<i32>} : memref<10368xi32, #tpu.memory_space<vmem>>, vector<16xi32>,
        %swap3A_356 = vector.shape_cast %swap3A_355 : vector<16xi32> to vector<16xi32>
        %swap3A_357 = vector.shape_cast %broadcast_in_dim3A_353 : vector<16xi32> to vector<16xi32>
        tpu.vector_store %arg13[%swap3A_354], %swap3A_357 {strides = array<i32>} : memref<10368xi32, #tpu.memory_space<vmem>>, vector<16xi32>,
        %slice3A_358 = vector.extract_strided_slice %get3A_207 {offsets = [7], sizes = [1], strides = [1]} : vector<16xi32> to vector<1xi32>
        %squeeze3A_359 = vector.extract %slice3A_358[0] : i32 from vector<1xi32>
        %eq3A_360 = arith.cmpi eq, %squeeze3A_359, %squeeze3A : i32
        %jit3A_361 = arith.constant 1 : i32
        %jit3A_362 = arith.constant 0 : i32
        %select_n3A_363 = arith.select %eq3A_360, %jit3A_361, %jit3A_362 : i32
        %add3A_364 = arith.addi %add3A_345, %select_n3A_363 : i32
        %slice3A_365 = vector.extract_strided_slice %get3A_212 {offsets = [8], sizes = [1], strides = [1]} : vector<16xi32> to vector<1xi32>
        %squeeze3A_366 = vector.extract %slice3A_365[0] : i32 from vector<1xi32>
        %slice3A_367 = vector.extract_strided_slice %get3A_217 {offsets = [8], sizes = [1], strides = [1]} : vector<16xi32> to vector<1xi32>
        %squeeze3A_368 = vector.extract %slice3A_367[0] : i32 from vector<1xi32>
        %shift_left3A_369 = arith.constant 14 : i32
        %shift_left3A_370 = arith.shli %squeeze3A_368, %shift_left3A_369 : i32
        %or3A_371 = arith.ori %squeeze3A_366, %shift_left3A_370 : i32
        %broadcast_in_dim3A_372 = vector.broadcast %or3A_371 : i32 to vector<16xi32>
        %swap3A_373 = arith.index_cast %add3A_364 : i32 to index
        %swap3A_374 = tpu.vector_load %arg13[%swap3A_373] {strides = array<i32>} : memref<10368xi32, #tpu.memory_space<vmem>>, vector<16xi32>,
        %swap3A_375 = vector.shape_cast %swap3A_374 : vector<16xi32> to vector<16xi32>
        %swap3A_376 = vector.shape_cast %broadcast_in_dim3A_372 : vector<16xi32> to vector<16xi32>
        tpu.vector_store %arg13[%swap3A_373], %swap3A_376 {strides = array<i32>} : memref<10368xi32, #tpu.memory_space<vmem>>, vector<16xi32>,
        %slice3A_377 = vector.extract_strided_slice %get3A_207 {offsets = [8], sizes = [1], strides = [1]} : vector<16xi32> to vector<1xi32>
        %squeeze3A_378 = vector.extract %slice3A_377[0] : i32 from vector<1xi32>
        %eq3A_379 = arith.cmpi eq, %squeeze3A_378, %squeeze3A : i32
        %jit3A_380 = arith.constant 1 : i32
        %jit3A_381 = arith.constant 0 : i32
        %select_n3A_382 = arith.select %eq3A_379, %jit3A_380, %jit3A_381 : i32
        %add3A_383 = arith.addi %add3A_364, %select_n3A_382 : i32
        %slice3A_384 = vector.extract_strided_slice %get3A_212 {offsets = [9], sizes = [1], strides = [1]} : vector<16xi32> to vector<1xi32>
        %squeeze3A_385 = vector.extract %slice3A_384[0] : i32 from vector<1xi32>
        %slice3A_386 = vector.extract_strided_slice %get3A_217 {offsets = [9], sizes = [1], strides = [1]} : vector<16xi32> to vector<1xi32>
        %squeeze3A_387 = vector.extract %slice3A_386[0] : i32 from vector<1xi32>
        %shift_left3A_388 = arith.constant 14 : i32
        %shift_left3A_389 = arith.shli %squeeze3A_387, %shift_left3A_388 : i32
        %or3A_390 = arith.ori %squeeze3A_385, %shift_left3A_389 : i32
        %broadcast_in_dim3A_391 = vector.broadcast %or3A_390 : i32 to vector<16xi32>
        %swap3A_392 = arith.index_cast %add3A_383 : i32 to index
        %swap3A_393 = tpu.vector_load %arg13[%swap3A_392] {strides = array<i32>} : memref<10368xi32, #tpu.memory_space<vmem>>, vector<16xi32>,
        %swap3A_394 = vector.shape_cast %swap3A_393 : vector<16xi32> to vector<16xi32>
        %swap3A_395 = vector.shape_cast %broadcast_in_dim3A_391 : vector<16xi32> to vector<16xi32>
        tpu.vector_store %arg13[%swap3A_392], %swap3A_395 {strides = array<i32>} : memref<10368xi32, #tpu.memory_space<vmem>>, vector<16xi32>,
        %slice3A_396 = vector.extract_strided_slice %get3A_207 {offsets = [9], sizes = [1], strides = [1]} : vector<16xi32> to vector<1xi32>
        %squeeze3A_397 = vector.extract %slice3A_396[0] : i32 from vector<1xi32>
        %eq3A_398 = arith.cmpi eq, %squeeze3A_397, %squeeze3A : i32
        %jit3A_399 = arith.constant 1 : i32
        %jit3A_400 = arith.constant 0 : i32
        %select_n3A_401 = arith.select %eq3A_398, %jit3A_399, %jit3A_400 : i32
        %add3A_402 = arith.addi %add3A_383, %select_n3A_401 : i32
        %slice3A_403 = vector.extract_strided_slice %get3A_212 {offsets = [10], sizes = [1], strides = [1]} : vector<16xi32> to vector<1xi32>
        %squeeze3A_404 = vector.extract %slice3A_403[0] : i32 from vector<1xi32>
        %slice3A_405 = vector.extract_strided_slice %get3A_217 {offsets = [10], sizes = [1], strides = [1]} : vector<16xi32> to vector<1xi32>
        %squeeze3A_406 = vector.extract %slice3A_405[0] : i32 from vector<1xi32>
        %shift_left3A_407 = arith.constant 14 : i32
        %shift_left3A_408 = arith.shli %squeeze3A_406, %shift_left3A_407 : i32
        %or3A_409 = arith.ori %squeeze3A_404, %shift_left3A_408 : i32
        %broadcast_in_dim3A_410 = vector.broadcast %or3A_409 : i32 to vector<16xi32>
        %swap3A_411 = arith.index_cast %add3A_402 : i32 to index
        %swap3A_412 = tpu.vector_load %arg13[%swap3A_411] {strides = array<i32>} : memref<10368xi32, #tpu.memory_space<vmem>>, vector<16xi32>,
        %swap3A_413 = vector.shape_cast %swap3A_412 : vector<16xi32> to vector<16xi32>
        %swap3A_414 = vector.shape_cast %broadcast_in_dim3A_410 : vector<16xi32> to vector<16xi32>
        tpu.vector_store %arg13[%swap3A_411], %swap3A_414 {strides = array<i32>} : memref<10368xi32, #tpu.memory_space<vmem>>, vector<16xi32>,
        %slice3A_415 = vector.extract_strided_slice %get3A_207 {offsets = [10], sizes = [1], strides = [1]} : vector<16xi32> to vector<1xi32>
        %squeeze3A_416 = vector.extract %slice3A_415[0] : i32 from vector<1xi32>
        %eq3A_417 = arith.cmpi eq, %squeeze3A_416, %squeeze3A : i32
        %jit3A_418 = arith.constant 1 : i32
        %jit3A_419 = arith.constant 0 : i32
        %select_n3A_420 = arith.select %eq3A_417, %jit3A_418, %jit3A_419 : i32
        %add3A_421 = arith.addi %add3A_402, %select_n3A_420 : i32
        %slice3A_422 = vector.extract_strided_slice %get3A_212 {offsets = [11], sizes = [1], strides = [1]} : vector<16xi32> to vector<1xi32>
        %squeeze3A_423 = vector.extract %slice3A_422[0] : i32 from vector<1xi32>
        %slice3A_424 = vector.extract_strided_slice %get3A_217 {offsets = [11], sizes = [1], strides = [1]} : vector<16xi32> to vector<1xi32>
        %squeeze3A_425 = vector.extract %slice3A_424[0] : i32 from vector<1xi32>
        %shift_left3A_426 = arith.constant 14 : i32
        %shift_left3A_427 = arith.shli %squeeze3A_425, %shift_left3A_426 : i32
        %or3A_428 = arith.ori %squeeze3A_423, %shift_left3A_427 : i32
        %broadcast_in_dim3A_429 = vector.broadcast %or3A_428 : i32 to vector<16xi32>
        %swap3A_430 = arith.index_cast %add3A_421 : i32 to index
        %swap3A_431 = tpu.vector_load %arg13[%swap3A_430] {strides = array<i32>} : memref<10368xi32, #tpu.memory_space<vmem>>, vector<16xi32>,
        %swap3A_432 = vector.shape_cast %swap3A_431 : vector<16xi32> to vector<16xi32>
        %swap3A_433 = vector.shape_cast %broadcast_in_dim3A_429 : vector<16xi32> to vector<16xi32>
        tpu.vector_store %arg13[%swap3A_430], %swap3A_433 {strides = array<i32>} : memref<10368xi32, #tpu.memory_space<vmem>>, vector<16xi32>,
        %slice3A_434 = vector.extract_strided_slice %get3A_207 {offsets = [11], sizes = [1], strides = [1]} : vector<16xi32> to vector<1xi32>
        %squeeze3A_435 = vector.extract %slice3A_434[0] : i32 from vector<1xi32>
        %eq3A_436 = arith.cmpi eq, %squeeze3A_435, %squeeze3A : i32
        %jit3A_437 = arith.constant 1 : i32
        %jit3A_438 = arith.constant 0 : i32
        %select_n3A_439 = arith.select %eq3A_436, %jit3A_437, %jit3A_438 : i32
        %add3A_440 = arith.addi %add3A_421, %select_n3A_439 : i32
        %slice3A_441 = vector.extract_strided_slice %get3A_212 {offsets = [12], sizes = [1], strides = [1]} : vector<16xi32> to vector<1xi32>
        %squeeze3A_442 = vector.extract %slice3A_441[0] : i32 from vector<1xi32>
        %slice3A_443 = vector.extract_strided_slice %get3A_217 {offsets = [12], sizes = [1], strides = [1]} : vector<16xi32> to vector<1xi32>
        %squeeze3A_444 = vector.extract %slice3A_443[0] : i32 from vector<1xi32>
        %shift_left3A_445 = arith.constant 14 : i32
        %shift_left3A_446 = arith.shli %squeeze3A_444, %shift_left3A_445 : i32
        %or3A_447 = arith.ori %squeeze3A_442, %shift_left3A_446 : i32
        %broadcast_in_dim3A_448 = vector.broadcast %or3A_447 : i32 to vector<16xi32>
        %swap3A_449 = arith.index_cast %add3A_440 : i32 to index
        %swap3A_450 = tpu.vector_load %arg13[%swap3A_449] {strides = array<i32>} : memref<10368xi32, #tpu.memory_space<vmem>>, vector<16xi32>,
        %swap3A_451 = vector.shape_cast %swap3A_450 : vector<16xi32> to vector<16xi32>
        %swap3A_452 = vector.shape_cast %broadcast_in_dim3A_448 : vector<16xi32> to vector<16xi32>
        tpu.vector_store %arg13[%swap3A_449], %swap3A_452 {strides = array<i32>} : memref<10368xi32, #tpu.memory_space<vmem>>, vector<16xi32>,
        %slice3A_453 = vector.extract_strided_slice %get3A_207 {offsets = [12], sizes = [1], strides = [1]} : vector<16xi32> to vector<1xi32>
        %squeeze3A_454 = vector.extract %slice3A_453[0] : i32 from vector<1xi32>
        %eq3A_455 = arith.cmpi eq, %squeeze3A_454, %squeeze3A : i32
        %jit3A_456 = arith.constant 1 : i32
        %jit3A_457 = arith.constant 0 : i32
        %select_n3A_458 = arith.select %eq3A_455, %jit3A_456, %jit3A_457 : i32
        %add3A_459 = arith.addi %add3A_440, %select_n3A_458 : i32
        %slice3A_460 = vector.extract_strided_slice %get3A_212 {offsets = [13], sizes = [1], strides = [1]} : vector<16xi32> to vector<1xi32>
        %squeeze3A_461 = vector.extract %slice3A_460[0] : i32 from vector<1xi32>
        %slice3A_462 = vector.extract_strided_slice %get3A_217 {offsets = [13], sizes = [1], strides = [1]} : vector<16xi32> to vector<1xi32>
        %squeeze3A_463 = vector.extract %slice3A_462[0] : i32 from vector<1xi32>
        %shift_left3A_464 = arith.constant 14 : i32
        %shift_left3A_465 = arith.shli %squeeze3A_463, %shift_left3A_464 : i32
        %or3A_466 = arith.ori %squeeze3A_461, %shift_left3A_465 : i32
        %broadcast_in_dim3A_467 = vector.broadcast %or3A_466 : i32 to vector<16xi32>
        %swap3A_468 = arith.index_cast %add3A_459 : i32 to index
        %swap3A_469 = tpu.vector_load %arg13[%swap3A_468] {strides = array<i32>} : memref<10368xi32, #tpu.memory_space<vmem>>, vector<16xi32>,
        %swap3A_470 = vector.shape_cast %swap3A_469 : vector<16xi32> to vector<16xi32>
        %swap3A_471 = vector.shape_cast %broadcast_in_dim3A_467 : vector<16xi32> to vector<16xi32>
        tpu.vector_store %arg13[%swap3A_468], %swap3A_471 {strides = array<i32>} : memref<10368xi32, #tpu.memory_space<vmem>>, vector<16xi32>,
        %slice3A_472 = vector.extract_strided_slice %get3A_207 {offsets = [13], sizes = [1], strides = [1]} : vector<16xi32> to vector<1xi32>
        %squeeze3A_473 = vector.extract %slice3A_472[0] : i32 from vector<1xi32>
        %eq3A_474 = arith.cmpi eq, %squeeze3A_473, %squeeze3A : i32
        %jit3A_475 = arith.constant 1 : i32
        %jit3A_476 = arith.constant 0 : i32
        %select_n3A_477 = arith.select %eq3A_474, %jit3A_475, %jit3A_476 : i32
        %add3A_478 = arith.addi %add3A_459, %select_n3A_477 : i32
        %slice3A_479 = vector.extract_strided_slice %get3A_212 {offsets = [14], sizes = [1], strides = [1]} : vector<16xi32> to vector<1xi32>
        %squeeze3A_480 = vector.extract %slice3A_479[0] : i32 from vector<1xi32>
        %slice3A_481 = vector.extract_strided_slice %get3A_217 {offsets = [14], sizes = [1], strides = [1]} : vector<16xi32> to vector<1xi32>
        %squeeze3A_482 = vector.extract %slice3A_481[0] : i32 from vector<1xi32>
        %shift_left3A_483 = arith.constant 14 : i32
        %shift_left3A_484 = arith.shli %squeeze3A_482, %shift_left3A_483 : i32
        %or3A_485 = arith.ori %squeeze3A_480, %shift_left3A_484 : i32
        %broadcast_in_dim3A_486 = vector.broadcast %or3A_485 : i32 to vector<16xi32>
        %swap3A_487 = arith.index_cast %add3A_478 : i32 to index
        %swap3A_488 = tpu.vector_load %arg13[%swap3A_487] {strides = array<i32>} : memref<10368xi32, #tpu.memory_space<vmem>>, vector<16xi32>,
        %swap3A_489 = vector.shape_cast %swap3A_488 : vector<16xi32> to vector<16xi32>
        %swap3A_490 = vector.shape_cast %broadcast_in_dim3A_486 : vector<16xi32> to vector<16xi32>
        tpu.vector_store %arg13[%swap3A_487], %swap3A_490 {strides = array<i32>} : memref<10368xi32, #tpu.memory_space<vmem>>, vector<16xi32>,
        %slice3A_491 = vector.extract_strided_slice %get3A_207 {offsets = [14], sizes = [1], strides = [1]} : vector<16xi32> to vector<1xi32>
        %squeeze3A_492 = vector.extract %slice3A_491[0] : i32 from vector<1xi32>
        %eq3A_493 = arith.cmpi eq, %squeeze3A_492, %squeeze3A : i32
        %jit3A_494 = arith.constant 1 : i32
        %jit3A_495 = arith.constant 0 : i32
        %select_n3A_496 = arith.select %eq3A_493, %jit3A_494, %jit3A_495 : i32
        %add3A_497 = arith.addi %add3A_478, %select_n3A_496 : i32
        %slice3A_498 = vector.extract_strided_slice %get3A_212 {offsets = [15], sizes = [1], strides = [1]} : vector<16xi32> to vector<1xi32>
        %squeeze3A_499 = vector.extract %slice3A_498[0] : i32 from vector<1xi32>
        %slice3A_500 = vector.extract_strided_slice %get3A_217 {offsets = [15], sizes = [1], strides = [1]} : vector<16xi32> to vector<1xi32>
        %squeeze3A_501 = vector.extract %slice3A_500[0] : i32 from vector<1xi32>
        %shift_left3A_502 = arith.constant 14 : i32
        %shift_left3A_503 = arith.shli %squeeze3A_501, %shift_left3A_502 : i32
        %or3A_504 = arith.ori %squeeze3A_499, %shift_left3A_503 : i32
        %broadcast_in_dim3A_505 = vector.broadcast %or3A_504 : i32 to vector<16xi32>
        %swap3A_506 = arith.index_cast %add3A_497 : i32 to index
        %swap3A_507 = tpu.vector_load %arg13[%swap3A_506] {strides = array<i32>} : memref<10368xi32, #tpu.memory_space<vmem>>, vector<16xi32>,
        %swap3A_508 = vector.shape_cast %swap3A_507 : vector<16xi32> to vector<16xi32>
        %swap3A_509 = vector.shape_cast %broadcast_in_dim3A_505 : vector<16xi32> to vector<16xi32>
        tpu.vector_store %arg13[%swap3A_506], %swap3A_509 {strides = array<i32>} : memref<10368xi32, #tpu.memory_space<vmem>>, vector<16xi32>,
        %slice3A_510 = vector.extract_strided_slice %get3A_207 {offsets = [15], sizes = [1], strides = [1]} : vector<16xi32> to vector<1xi32>
        %squeeze3A_511 = vector.extract %slice3A_510[0] : i32 from vector<1xi32>
        %eq3A_512 = arith.cmpi eq, %squeeze3A_511, %squeeze3A : i32
        %jit3A_513 = arith.constant 1 : i32
        %jit3A_514 = arith.constant 0 : i32
        %select_n3A_515 = arith.select %eq3A_512, %jit3A_513, %jit3A_514 : i32
        %add3A_516 = arith.addi %add3A_497, %select_n3A_515 : i32
        scf.yield %add3A_516 : i32
      }
      %scan3A_200 = arith.constant 80 : i32
      scf.yield %scan3A_199 : i32
    }
    %scan3A_51 = arith.constant 8 : i32
    %scan3A_52 = arith.constant 0 : i32
    %scan3A_53 = arith.constant 0 : i32
    %scan3A_54 = arith.constant 8 : i32
    %scan3A_55 = arith.addi %scan3A_53, %scan3A_54 : i32
    %scan3A_56 = arith.constant 1 : i32
    scf.for %scan3A_163 = %scan3A_53 to %scan3A_55 step %scan3A_56  : i32 {
      %broadcast_in_dim3A = arith.constant 163840000 : i32
      %broadcast_in_dim3A_164 = vector.broadcast %broadcast_in_dim3A : i32 to vector<16xi32>
      %mul3A_165 = arith.constant 16 : i32
      %mul3A_166 = arith.muli %scan3A_163, %mul3A_165 : i32
      %add3A_167 = arith.addi %scan3A_50, %mul3A_166 : i32
      %swap3A = arith.index_cast %add3A_167 : i32 to index
      %swap3A_168 = tpu.vector_load %arg13[%swap3A] {strides = array<i32>} : memref<10368xi32, #tpu.memory_space<vmem>>, vector<16xi32>,
      %swap3A_169 = vector.shape_cast %swap3A_168 : vector<16xi32> to vector<16xi32>
      %swap3A_170 = vector.shape_cast %broadcast_in_dim3A_164 : vector<16xi32> to vector<16xi32>
      tpu.vector_store %arg13[%swap3A], %swap3A_170 {strides = array<i32>} : memref<10368xi32, #tpu.memory_space<vmem>>, vector<16xi32>,
    }
    %scan3A_57 = arith.constant 8 : i32
    %add3A_58 = arith.constant 64 : i32
    %add3A_59 = arith.addi %scan3A_50, %add3A_58 : i32
    %sub3A = arith.constant 1 : i32
    %sub3A_60 = arith.subi %add3A_59, %sub3A : i32
    %jit3A = arith.constant 64 : i32
    %div3A = arith.divsi %sub3A_60, %jit3A : i32
    %sign3A = arith.constant 0 : i32
    %sign3A_61 = arith.cmpi sgt, %sub3A_60, %sign3A : i32
    %sign3A_62 = arith.extui %sign3A_61 : i1 to i32
    %sign3A_63 = arith.constant 0 : i32
    %sign3A_64 = arith.cmpi slt, %sub3A_60, %sign3A_63 : i32
    %sign3A_65 = arith.extui %sign3A_64 : i1 to i32
    %sign3A_66 = arith.subi %sign3A_62, %sign3A_65 : i32
    %sign3A_67 = arith.constant 0 : i32
    %sign3A_68 = arith.cmpi sgt, %jit3A, %sign3A_67 : i32
    %sign3A_69 = arith.extui %sign3A_68 : i1 to i32
    %sign3A_70 = arith.constant 0 : i32
    %sign3A_71 = arith.cmpi slt, %jit3A, %sign3A_70 : i32
    %sign3A_72 = arith.extui %sign3A_71 : i1 to i32
    %sign3A_73 = arith.subi %sign3A_69, %sign3A_72 : i32
    %ne3A = arith.cmpi ne, %sign3A_66, %sign3A_73 : i32
    %rem3A = arith.remsi %sub3A_60, %jit3A : i32
    %ne3A_74 = arith.constant 0 : i32
    %ne3A_75 = arith.cmpi ne, %rem3A, %ne3A_74 : i32
    %and3A = arith.andi %ne3A, %ne3A_75 : i1
    %sub3A_76 = arith.constant 1 : i32
    %sub3A_77 = arith.subi %div3A, %sub3A_76 : i32
    %select_n3A = arith.select %and3A, %sub3A_77, %div3A : i32
    %add3A_78 = arith.constant 1 : i32
    %add3A_79 = arith.addi %select_n3A, %add3A_78 : i32
    %jit3A_80 = arith.constant 2 : i32
    %div3A_81 = arith.divsi %add3A_79, %jit3A_80 : i32
    %sign3A_82 = arith.constant 0 : i32
    %sign3A_83 = arith.cmpi sgt, %add3A_79, %sign3A_82 : i32
    %sign3A_84 = arith.extui %sign3A_83 : i1 to i32
    %sign3A_85 = arith.constant 0 : i32
    %sign3A_86 = arith.cmpi slt, %add3A_79, %sign3A_85 : i32
    %sign3A_87 = arith.extui %sign3A_86 : i1 to i32
    %sign3A_88 = arith.subi %sign3A_84, %sign3A_87 : i32
    %sign3A_89 = arith.constant 0 : i32
    %sign3A_90 = arith.cmpi sgt, %jit3A_80, %sign3A_89 : i32
    %sign3A_91 = arith.extui %sign3A_90 : i1 to i32
    %sign3A_92 = arith.constant 0 : i32
    %sign3A_93 = arith.cmpi slt, %jit3A_80, %sign3A_92 : i32
    %sign3A_94 = arith.extui %sign3A_93 : i1 to i32
    %sign3A_95 = arith.subi %sign3A_91, %sign3A_94 : i32
    %ne3A_96 = arith.cmpi ne, %sign3A_88, %sign3A_95 : i32
    %rem3A_97 = arith.remsi %add3A_79, %jit3A_80 : i32
    %ne3A_98 = arith.constant 0 : i32
    %ne3A_99 = arith.cmpi ne, %rem3A_97, %ne3A_98 : i32
    %and3A_100 = arith.andi %ne3A_96, %ne3A_99 : i1
    %sub3A_101 = arith.constant 1 : i32
    %sub3A_102 = arith.subi %div3A_81, %sub3A_101 : i32
    %select_n3A_103 = arith.select %and3A_100, %sub3A_102, %div3A_81 : i32
    %mul3A_104 = arith.constant 8 : i32
    %mul3A_105 = arith.muli %select_n3A_103, %mul3A_104 : i32
    %while3A = arith.constant 0 : i32
    %while3A_106 = arith.constant 0 : i32
    %while3A_107 = arith.subi %mul3A_105, %while3A_106 : i32
    %while3A_108 = arith.addi %while3A_106, %while3A_107 : i32
    %while3A_109 = arith.constant 1 : i32
    %while3A_110 = arith.divsi %while3A_107, %while3A_109 : i32
    %while3A_111 = arith.muli %while3A_110, %while3A_109 : i32
    %while3A_112 = arith.addi %while3A_106, %while3A_111 : i32
    %while3A_113 = arith.constant 1 : i32
    scf.for %while3A_163 = %while3A_106 to %while3A_112 step %while3A_113  : i32 {
      %mul3A_164 = arith.constant 16 : i32
      %mul3A_165 = arith.muli %while3A_163, %mul3A_164 : i32
      %get3A_166 = arith.index_cast %mul3A_165 : i32 to index
      %get3A_167 = tpu.vector_load %arg13[%get3A_166] {strides = array<i32>} : memref<10368xi32, #tpu.memory_space<vmem>>, vector<16xi32>,
      %get3A_168 = vector.shape_cast %get3A_167 : vector<16xi32> to vector<16xi32>
      %and3A_169 = arith.constant 16383 : i32
      %and3A_170 = vector.broadcast %and3A_169 : i32 to vector<16xi32>
      %and3A_171 = arith.andi %get3A_168, %and3A_170 : vector<16xi32>
      %mul3A_172 = arith.constant 16 : i32
      %mul3A_173 = arith.muli %while3A_163, %mul3A_172 : i32
      %swap3A = arith.index_cast %mul3A_173 : i32 to index
      %swap3A_174 = tpu.vector_load %arg12[%swap3A] {strides = array<i32>} : memref<10368xi32, #tpu.memory_space<vmem>>, vector<16xi32>,
      %swap3A_175 = vector.shape_cast %swap3A_174 : vector<16xi32> to vector<16xi32>
      %swap3A_176 = vector.shape_cast %and3A_171 : vector<16xi32> to vector<16xi32>
      tpu.vector_store %arg12[%swap3A], %swap3A_176 {strides = array<i32>} : memref<10368xi32, #tpu.memory_space<vmem>>, vector<16xi32>,
      %shift_right_arithmetic3A = arith.constant 14 : i32
      %shift_right_arithmetic3A_177 = vector.broadcast %shift_right_arithmetic3A : i32 to vector<16xi32>
      %shift_right_arithmetic3A_178 = arith.shrsi %get3A_168, %shift_right_arithmetic3A_177 : vector<16xi32>
      %mul3A_179 = arith.constant 16 : i32
      %mul3A_180 = arith.muli %while3A_163, %mul3A_179 : i32
      %swap3A_181 = arith.index_cast %mul3A_180 : i32 to index
      %swap3A_182 = tpu.vector_load %arg13[%swap3A_181] {strides = array<i32>} : memref<10368xi32, #tpu.memory_space<vmem>>, vector<16xi32>,
      %swap3A_183 = vector.shape_cast %swap3A_182 : vector<16xi32> to vector<16xi32>
      %swap3A_184 = vector.shape_cast %shift_right_arithmetic3A_178 : vector<16xi32> to vector<16xi32>
      tpu.vector_store %arg13[%swap3A_181], %swap3A_184 {strides = array<i32>} : memref<10368xi32, #tpu.memory_space<vmem>>, vector<16xi32>,
    }
    %while3A_114 = arith.constant 1 : i32
    scf.for %while3A_163 = %while3A_112 to %while3A_108 step %while3A_114  : i32 {
      %mul3A_164 = arith.constant 16 : i32
      %mul3A_165 = arith.muli %while3A_163, %mul3A_164 : i32
      %get3A_166 = arith.index_cast %mul3A_165 : i32 to index
      %get3A_167 = tpu.vector_load %arg13[%get3A_166] {strides = array<i32>} : memref<10368xi32, #tpu.memory_space<vmem>>, vector<16xi32>,
      %get3A_168 = vector.shape_cast %get3A_167 : vector<16xi32> to vector<16xi32>
      %and3A_169 = arith.constant 16383 : i32
      %and3A_170 = vector.broadcast %and3A_169 : i32 to vector<16xi32>
      %and3A_171 = arith.andi %get3A_168, %and3A_170 : vector<16xi32>
      %mul3A_172 = arith.constant 16 : i32
      %mul3A_173 = arith.muli %while3A_163, %mul3A_172 : i32
      %swap3A = arith.index_cast %mul3A_173 : i32 to index
      %swap3A_174 = tpu.vector_load %arg12[%swap3A] {strides = array<i32>} : memref<10368xi32, #tpu.memory_space<vmem>>, vector<16xi32>,
      %swap3A_175 = vector.shape_cast %swap3A_174 : vector<16xi32> to vector<16xi32>
      %swap3A_176 = vector.shape_cast %and3A_171 : vector<16xi32> to vector<16xi32>
      tpu.vector_store %arg12[%swap3A], %swap3A_176 {strides = array<i32>} : memref<10368xi32, #tpu.memory_space<vmem>>, vector<16xi32>,
      %shift_right_arithmetic3A = arith.constant 14 : i32
      %shift_right_arithmetic3A_177 = vector.broadcast %shift_right_arithmetic3A : i32 to vector<16xi32>
      %shift_right_arithmetic3A_178 = arith.shrsi %get3A_168, %shift_right_arithmetic3A_177 : vector<16xi32>
      %mul3A_179 = arith.constant 16 : i32
      %mul3A_180 = arith.muli %while3A_163, %mul3A_179 : i32
      %swap3A_181 = arith.index_cast %mul3A_180 : i32 to index
      %swap3A_182 = tpu.vector_load %arg13[%swap3A_181] {strides = array<i32>} : memref<10368xi32, #tpu.memory_space<vmem>>, vector<16xi32>,
      %swap3A_183 = vector.shape_cast %swap3A_182 : vector<16xi32> to vector<16xi32>
      %swap3A_184 = vector.shape_cast %shift_right_arithmetic3A_178 : vector<16xi32> to vector<16xi32>
      tpu.vector_store %arg13[%swap3A_181], %swap3A_184 {strides = array<i32>} : memref<10368xi32, #tpu.memory_space<vmem>>, vector<16xi32>,
    }
    %scan3A_115 = arith.constant 0 : i32
    %scan3A_116 = arith.constant 0 : i32
    %scan3A_117 = arith.constant 9 : i32
    %scan3A_118 = arith.addi %scan3A_116, %scan3A_117 : i32
    %scan3A_119 = arith.constant 1 : i32
    scf.for %scan3A_163 = %scan3A_116 to %scan3A_118 step %scan3A_119  : i32 {
      %dma_wait3A_164 = arith.constant 0 : i32
      %dma_wait3A_165 = tpu.memref_slice %arg19[%mul3A_15, %dma_wait3A_164] : memref<10112x128xf32, #tpu.memory_space<vmem_shared>> -> memref<64x128xf32, #tpu.memory_space<vmem_shared>>
      %dma_wait3A_166 = arith.constant 0 : i32
      %dma_wait3A_167 = tpu.memref_slice %arg19[%mul3A_15, %dma_wait3A_166] : memref<10112x128xf32, #tpu.memory_space<vmem_shared>> -> memref<64x128xf32, #tpu.memory_space<vmem_shared>>
      tpu.wait_dma2 semaphore(%arg24 : memref<!tpu.dma_semaphore, #tpu.memory_space<semaphore_mem>>) src(%arg14 : memref<64x128xf32, #tpu.memory_space<vmem>>) dst(%dma_wait3A_167 : memref<64x128xf32, #tpu.memory_space<vmem_shared>>)
    }
    %scan3A_120 = arith.constant 9 : i32
    %dma_wait3A = arith.constant 0 : i32
    %dma_wait3A_121 = arith.constant 0 : i32
    %dma_wait3A_122 = tpu.memref_slice %arg14[%dma_wait3A, %dma_wait3A_121] : memref<64x128xf32, #tpu.memory_space<vmem>> -> memref<56x128xf32, #tpu.memory_space<vmem>>
    %dma_wait3A_123 = arith.constant 0 : i32
    %dma_wait3A_124 = tpu.memref_slice %arg19[%mul3A_15, %dma_wait3A_123] : memref<10112x128xf32, #tpu.memory_space<vmem_shared>> -> memref<56x128xf32, #tpu.memory_space<vmem_shared>>
    %dma_wait3A_125 = arith.constant 0 : i32
    %dma_wait3A_126 = tpu.memref_slice %arg19[%mul3A_15, %dma_wait3A_125] : memref<10112x128xf32, #tpu.memory_space<vmem_shared>> -> memref<56x128xf32, #tpu.memory_space<vmem_shared>>
    %dma_wait3A_127 = arith.constant 0 : i32
    %dma_wait3A_128 = arith.constant 0 : i32
    %dma_wait3A_129 = tpu.memref_slice %arg14[%dma_wait3A_127, %dma_wait3A_128] : memref<64x128xf32, #tpu.memory_space<vmem>> -> memref<56x128xf32, #tpu.memory_space<vmem>>
    tpu.wait_dma2 semaphore(%arg24 : memref<!tpu.dma_semaphore, #tpu.memory_space<semaphore_mem>>) src(%dma_wait3A_129 : memref<56x128xf32, #tpu.memory_space<vmem>>) dst(%dma_wait3A_126 : memref<56x128xf32, #tpu.memory_space<vmem_shared>>)
    %dma_wait3A_130 = arith.constant 0 : i32
    %dma_wait3A_131 = tpu.memref_slice %arg20[%dma_wait3A_130] : memref<10240xf32, #tpu.memory_space<vmem_shared>> -> memref<640xf32, #tpu.memory_space<vmem_shared>>
    %dma_wait3A_132 = arith.constant 0 : i32
    %dma_wait3A_133 = tpu.memref_slice %arg20[%dma_wait3A_132] : memref<10240xf32, #tpu.memory_space<vmem_shared>> -> memref<640xf32, #tpu.memory_space<vmem_shared>>
    tpu.wait_dma2 semaphore(%arg24 : memref<!tpu.dma_semaphore, #tpu.memory_space<semaphore_mem>>) src(%arg17 : memref<640xf32, #tpu.memory_space<vmem>>) dst(%dma_wait3A_133 : memref<640xf32, #tpu.memory_space<vmem_shared>>)
    %barrier3A = arith.constant 0 : index
    tpu.barrier barrier_id(%barrier3A)
    %gt3A = arith.constant 0 : i32
    %gt3A_134 = arith.cmpi sgt, %select_n3A_103, %gt3A : i32
    %convert_element_type3A = arith.extui %gt3A_134 : i1 to i32
    %cond3A = arith.constant 0 : i32
    %cond3A_135 = arith.cmpi ne, %convert_element_type3A, %cond3A : i32
    scf.if %cond3A_135 {
      %dma_start3A_163 = arith.constant 0 : i32
      %dma_start3A_164 = tpu.memref_slice %arg12[%dma_start3A_163] : memref<10368xi32, #tpu.memory_space<vmem>> -> memref<64xi32, #tpu.memory_space<vmem>>
      %dma_start3A_165 = arith.constant 0 : i32
      %dma_start3A_166 = arith.constant 0 : i32
      %dma_start3A_167 = tpu.memref_slice %arg2[%dma_start3A_165, %dma_start3A_166] : memref<10000x128xf32, #tpu.memory_space<hbm>> -> memref<10000x128xf32, #tpu.memory_space<hbm>>
      tpu.enqueue_indirect_dma source(%dma_start3A_167 : memref<10000x128xf32, #tpu.memory_space<hbm>>) target(%arg14 : memref<64x128xf32, #tpu.memory_space<vmem>>) offsets(%dma_start3A_164 : memref<64xi32, #tpu.memory_space<vmem>>) semaphore(%arg21 : memref<!tpu.dma_semaphore, #tpu.memory_space<semaphore_mem>>)
    } else {
    }
    %while3A_136 = arith.constant 0 : i32
    %while3A_137 = arith.constant 0 : i32
    %while3A_138 = arith.subi %select_n3A_103, %while3A_137 : i32
    %while3A_139 = arith.addi %while3A_137, %while3A_138 : i32
    %while3A_140 = arith.constant 1 : i32
    %while3A_141 = arith.divsi %while3A_138, %while3A_140 : i32
    %while3A_142 = arith.muli %while3A_141, %while3A_140 : i32
    %while3A_143 = arith.addi %while3A_137, %while3A_142 : i32
    %while3A_144 = arith.constant 1 : i32
    scf.for %while3A_163 = %while3A_137 to %while3A_143 step %while3A_144  : i32 {
      %mul3A_164 = arith.constant 2 : i32
      %mul3A_165 = arith.muli %mul3A_164, %while3A_163 : i32
      %mul3A_166 = arith.constant 2 : i32
      %mul3A_167 = arith.muli %mul3A_166, %while3A_163 : i32
      %add3A_168 = arith.constant 1 : i32
      %add3A_169 = arith.addi %mul3A_167, %add3A_168 : i32
      %mul3A_170 = arith.constant 64 : i32
      %mul3A_171 = arith.muli %add3A_169, %mul3A_170 : i32
      %dma_start3A_172 = tpu.memref_slice %arg12[%mul3A_171] : memref<10368xi32, #tpu.memory_space<vmem>> -> memref<64xi32, #tpu.memory_space<vmem>>
      %dma_start3A_173 = arith.constant 0 : i32
      %dma_start3A_174 = arith.constant 0 : i32
      %dma_start3A_175 = tpu.memref_slice %arg2[%dma_start3A_173, %dma_start3A_174] : memref<10000x128xf32, #tpu.memory_space<hbm>> -> memref<10000x128xf32, #tpu.memory_space<hbm>>
      tpu.enqueue_indirect_dma source(%dma_start3A_175 : memref<10000x128xf32, #tpu.memory_space<hbm>>) target(%arg15 : memref<64x128xf32, #tpu.memory_space<vmem>>) offsets(%dma_start3A_172 : memref<64xi32, #tpu.memory_space<vmem>>) semaphore(%arg22 : memref<!tpu.dma_semaphore, #tpu.memory_space<semaphore_mem>>)
      %mul3A_176 = arith.constant 64 : i32
      %mul3A_177 = arith.muli %mul3A_165, %mul3A_176 : i32
      %dma_start3A_178 = tpu.memref_slice %arg13[%mul3A_177] : memref<10368xi32, #tpu.memory_space<vmem>> -> memref<128xi32, #tpu.memory_space<vmem>>
      %dma_start3A_179 = arith.constant 0 : i32
      %dma_start3A_180 = tpu.memref_slice %arg20[%dma_start3A_179] : memref<10240xf32, #tpu.memory_space<vmem_shared>> -> memref<10240xf32, #tpu.memory_space<vmem_shared>>
      tpu.enqueue_indirect_dma source(%arg16 : memref<128xf32, #tpu.memory_space<vmem>>) target(%dma_start3A_180 : memref<10240xf32, #tpu.memory_space<vmem_shared>>) offsets(%dma_start3A_178 : memref<128xi32, #tpu.memory_space<vmem>>) semaphore(%arg23 : memref<!tpu.dma_semaphore, #tpu.memory_space<semaphore_mem>>) {add = true}
      %mul3A_181 = arith.constant 64 : i32
      %mul3A_182 = arith.muli %mul3A_165, %mul3A_181 : i32
      %dma_wait3A_183 = tpu.memref_slice %arg12[%mul3A_182] : memref<10368xi32, #tpu.memory_space<vmem>> -> memref<64xi32, #tpu.memory_space<vmem>>
      %dma_wait3A_184 = arith.constant 0 : i32
      %dma_wait3A_185 = arith.constant 0 : i32
      %dma_wait3A_186 = tpu.memref_slice %arg2[%dma_wait3A_184, %dma_wait3A_185] : memref<10000x128xf32, #tpu.memory_space<hbm>> -> memref<10000x128xf32, #tpu.memory_space<hbm>>
      tpu.wait_indirect_dma semaphore(%arg21 : memref<!tpu.dma_semaphore, #tpu.memory_space<semaphore_mem>>) src(%dma_wait3A_186 : memref<10000x128xf32, #tpu.memory_space<hbm>>) dst(%arg14 : memref<64x128xf32, #tpu.memory_space<vmem>>)
      %mul3A_187 = arith.constant 64 : i32
      %mul3A_188 = arith.muli %mul3A_165, %mul3A_187 : i32
      "tpu.region"() ({
        %run_scoped3A = tpu.sem_alloc : memref<!tpu.dma_semaphore, #tpu.memory_space<semaphore_mem>>
        %dma_start3A_205 = tpu.memref_slice %arg13[%mul3A_188] : memref<10368xi32, #tpu.memory_space<vmem>> -> memref<64xi32, #tpu.memory_space<vmem>>
        %dma_start3A_206 = arith.constant 0 : i32
        %dma_start3A_207 = arith.constant 0 : i32
        %dma_start3A_208 = tpu.memref_slice %arg19[%dma_start3A_206, %dma_start3A_207] : memref<10112x128xf32, #tpu.memory_space<vmem_shared>> -> memref<10112x128xf32, #tpu.memory_space<vmem_shared>>
        tpu.enqueue_indirect_dma source(%arg14 : memref<64x128xf32, #tpu.memory_space<vmem>>) target(%dma_start3A_208 : memref<10112x128xf32, #tpu.memory_space<vmem_shared>>) offsets(%dma_start3A_205 : memref<64xi32, #tpu.memory_space<vmem>>) semaphore(%run_scoped3A : memref<!tpu.dma_semaphore, #tpu.memory_space<semaphore_mem>>) {add = true}
        %dma_wait3A_209 = tpu.memref_slice %arg13[%mul3A_188] : memref<10368xi32, #tpu.memory_space<vmem>> -> memref<64xi32, #tpu.memory_space<vmem>>
        %dma_wait3A_210 = arith.constant 0 : i32
        %dma_wait3A_211 = arith.constant 0 : i32
        %dma_wait3A_212 = tpu.memref_slice %arg19[%dma_wait3A_210, %dma_wait3A_211] : memref<10112x128xf32, #tpu.memory_space<vmem_shared>> -> memref<10112x128xf32, #tpu.memory_space<vmem_shared>>
        tpu.wait_indirect_dma semaphore(%run_scoped3A : memref<!tpu.dma_semaphore, #tpu.memory_space<semaphore_mem>>) src(%arg14 : memref<64x128xf32, #tpu.memory_space<vmem>>) dst(%dma_wait3A_212 : memref<10112x128xf32, #tpu.memory_space<vmem_shared>>)
        tpu.yield
      }) : () -> ()
      %add3A_189 = arith.constant 2 : i32
      %add3A_190 = arith.addi %mul3A_165, %add3A_189 : i32
      %mul3A_191 = arith.constant 2 : i32
      %mul3A_192 = arith.muli %mul3A_191, %select_n3A_103 : i32
      %lt3A_193 = arith.cmpi slt, %add3A_190, %mul3A_192 : i32
      %convert_element_type3A_194 = arith.extui %lt3A_193 : i1 to i32
      %cond3A_195 = arith.constant 0 : i32
      %cond3A_196 = arith.cmpi ne, %convert_element_type3A_194, %cond3A_195 : i32
      scf.if %cond3A_196 {
        %add3A_205 = arith.constant 2 : i32
        %add3A_206 = arith.addi %mul3A_165, %add3A_205 : i32
        %mul3A_207 = arith.constant 64 : i32
        %mul3A_208 = arith.muli %add3A_206, %mul3A_207 : i32
        %dma_start3A_209 = tpu.memref_slice %arg12[%mul3A_208] : memref<10368xi32, #tpu.memory_space<vmem>> -> memref<64xi32, #tpu.memory_space<vmem>>
        %dma_start3A_210 = arith.constant 0 : i32
        %dma_start3A_211 = arith.constant 0 : i32
        %dma_start3A_212 = tpu.memref_slice %arg2[%dma_start3A_210, %dma_start3A_211] : memref<10000x128xf32, #tpu.memory_space<hbm>> -> memref<10000x128xf32, #tpu.memory_space<hbm>>
        tpu.enqueue_indirect_dma source(%dma_start3A_212 : memref<10000x128xf32, #tpu.memory_space<hbm>>) target(%arg14 : memref<64x128xf32, #tpu.memory_space<vmem>>) offsets(%dma_start3A_209 : memref<64xi32, #tpu.memory_space<vmem>>) semaphore(%arg21 : memref<!tpu.dma_semaphore, #tpu.memory_space<semaphore_mem>>)
      } else {
      }
      %mul3A_197 = arith.constant 64 : i32
      %mul3A_198 = arith.muli %add3A_169, %mul3A_197 : i32
      %dma_wait3A_199 = tpu.memref_slice %arg12[%mul3A_198] : memref<10368xi32, #tpu.memory_space<vmem>> -> memref<64xi32, #tpu.memory_space<vmem>>
      %dma_wait3A_200 = arith.constant 0 : i32
      %dma_wait3A_201 = arith.constant 0 : i32
      %dma_wait3A_202 = tpu.memref_slice %arg2[%dma_wait3A_200, %dma_wait3A_201] : memref<10000x128xf32, #tpu.memory_space<hbm>> -> memref<10000x128xf32, #tpu.memory_space<hbm>>
      tpu.wait_indirect_dma semaphore(%arg22 : memref<!tpu.dma_semaphore, #tpu.memory_space<semaphore_mem>>) src(%dma_wait3A_202 : memref<10000x128xf32, #tpu.memory_space<hbm>>) dst(%arg15 : memref<64x128xf32, #tpu.memory_space<vmem>>)
      %mul3A_203 = arith.constant 64 : i32
      %mul3A_204 = arith.muli %add3A_169, %mul3A_203 : i32
      "tpu.region"() ({
        %run_scoped3A = tpu.sem_alloc : memref<!tpu.dma_semaphore, #tpu.memory_space<semaphore_mem>>
        %dma_start3A_205 = tpu.memref_slice %arg13[%mul3A_204] : memref<10368xi32, #tpu.memory_space<vmem>> -> memref<64xi32, #tpu.memory_space<vmem>>
        %dma_start3A_206 = arith.constant 0 : i32
        %dma_start3A_207 = arith.constant 0 : i32
        %dma_start3A_208 = tpu.memref_slice %arg19[%dma_start3A_206, %dma_start3A_207] : memref<10112x128xf32, #tpu.memory_space<vmem_shared>> -> memref<10112x128xf32, #tpu.memory_space<vmem_shared>>
        tpu.enqueue_indirect_dma source(%arg15 : memref<64x128xf32, #tpu.memory_space<vmem>>) target(%dma_start3A_208 : memref<10112x128xf32, #tpu.memory_space<vmem_shared>>) offsets(%dma_start3A_205 : memref<64xi32, #tpu.memory_space<vmem>>) semaphore(%run_scoped3A : memref<!tpu.dma_semaphore, #tpu.memory_space<semaphore_mem>>) {add = true}
        %dma_wait3A_209 = tpu.memref_slice %arg13[%mul3A_204] : memref<10368xi32, #tpu.memory_space<vmem>> -> memref<64xi32, #tpu.memory_space<vmem>>
        %dma_wait3A_210 = arith.constant 0 : i32
        %dma_wait3A_211 = arith.constant 0 : i32
        %dma_wait3A_212 = tpu.memref_slice %arg19[%dma_wait3A_210, %dma_wait3A_211] : memref<10112x128xf32, #tpu.memory_space<vmem_shared>> -> memref<10112x128xf32, #tpu.memory_space<vmem_shared>>
        tpu.wait_indirect_dma semaphore(%run_scoped3A : memref<!tpu.dma_semaphore, #tpu.memory_space<semaphore_mem>>) src(%arg15 : memref<64x128xf32, #tpu.memory_space<vmem>>) dst(%dma_wait3A_212 : memref<10112x128xf32, #tpu.memory_space<vmem_shared>>)
        tpu.yield
      }) : () -> ()
    }
    %while3A_145 = arith.constant 1 : i32
    scf.for %while3A_163 = %while3A_143 to %while3A_139 step %while3A_145  : i32 {
      %mul3A_164 = arith.constant 2 : i32
      %mul3A_165 = arith.muli %mul3A_164, %while3A_163 : i32
      %mul3A_166 = arith.constant 2 : i32
      %mul3A_167 = arith.muli %mul3A_166, %while3A_163 : i32
      %add3A_168 = arith.constant 1 : i32
      %add3A_169 = arith.addi %mul3A_167, %add3A_168 : i32
      %mul3A_170 = arith.constant 64 : i32
      %mul3A_171 = arith.muli %add3A_169, %mul3A_170 : i32
      %dma_start3A_172 = tpu.memref_slice %arg12[%mul3A_171] : memref<10368xi32, #tpu.memory_space<vmem>> -> memref<64xi32, #tpu.memory_space<vmem>>
      %dma_start3A_173 = arith.constant 0 : i32
      %dma_start3A_174 = arith.constant 0 : i32
      %dma_start3A_175 = tpu.memref_slice %arg2[%dma_start3A_173, %dma_start3A_174] : memref<10000x128xf32, #tpu.memory_space<hbm>> -> memref<10000x128xf32, #tpu.memory_space<hbm>>
      tpu.enqueue_indirect_dma source(%dma_start3A_175 : memref<10000x128xf32, #tpu.memory_space<hbm>>) target(%arg15 : memref<64x128xf32, #tpu.memory_space<vmem>>) offsets(%dma_start3A_172 : memref<64xi32, #tpu.memory_space<vmem>>) semaphore(%arg22 : memref<!tpu.dma_semaphore, #tpu.memory_space<semaphore_mem>>)
      %mul3A_176 = arith.constant 64 : i32
      %mul3A_177 = arith.muli %mul3A_165, %mul3A_176 : i32
      %dma_start3A_178 = tpu.memref_slice %arg13[%mul3A_177] : memref<10368xi32, #tpu.memory_space<vmem>> -> memref<128xi32, #tpu.memory_space<vmem>>
      %dma_start3A_179 = arith.constant 0 : i32
      %dma_start3A_180 = tpu.memref_slice %arg20[%dma_start3A_179] : memref<10240xf32, #tpu.memory_space<vmem_shared>> -> memref<10240xf32, #tpu.memory_space<vmem_shared>>
      tpu.enqueue_indirect_dma source(%arg16 : memref<128xf32, #tpu.memory_space<vmem>>) target(%dma_start3A_180 : memref<10240xf32, #tpu.memory_space<vmem_shared>>) offsets(%dma_start3A_178 : memref<128xi32, #tpu.memory_space<vmem>>) semaphore(%arg23 : memref<!tpu.dma_semaphore, #tpu.memory_space<semaphore_mem>>) {add = true}
      %mul3A_181 = arith.constant 64 : i32
      %mul3A_182 = arith.muli %mul3A_165, %mul3A_181 : i32
      %dma_wait3A_183 = tpu.memref_slice %arg12[%mul3A_182] : memref<10368xi32, #tpu.memory_space<vmem>> -> memref<64xi32, #tpu.memory_space<vmem>>
      %dma_wait3A_184 = arith.constant 0 : i32
      %dma_wait3A_185 = arith.constant 0 : i32
      %dma_wait3A_186 = tpu.memref_slice %arg2[%dma_wait3A_184, %dma_wait3A_185] : memref<10000x128xf32, #tpu.memory_space<hbm>> -> memref<10000x128xf32, #tpu.memory_space<hbm>>
      tpu.wait_indirect_dma semaphore(%arg21 : memref<!tpu.dma_semaphore, #tpu.memory_space<semaphore_mem>>) src(%dma_wait3A_186 : memref<10000x128xf32, #tpu.memory_space<hbm>>) dst(%arg14 : memref<64x128xf32, #tpu.memory_space<vmem>>)
      %mul3A_187 = arith.constant 64 : i32
      %mul3A_188 = arith.muli %mul3A_165, %mul3A_187 : i32
      "tpu.region"() ({
        %run_scoped3A = tpu.sem_alloc : memref<!tpu.dma_semaphore, #tpu.memory_space<semaphore_mem>>
        %dma_start3A_205 = tpu.memref_slice %arg13[%mul3A_188] : memref<10368xi32, #tpu.memory_space<vmem>> -> memref<64xi32, #tpu.memory_space<vmem>>
        %dma_start3A_206 = arith.constant 0 : i32
        %dma_start3A_207 = arith.constant 0 : i32
        %dma_start3A_208 = tpu.memref_slice %arg19[%dma_start3A_206, %dma_start3A_207] : memref<10112x128xf32, #tpu.memory_space<vmem_shared>> -> memref<10112x128xf32, #tpu.memory_space<vmem_shared>>
        tpu.enqueue_indirect_dma source(%arg14 : memref<64x128xf32, #tpu.memory_space<vmem>>) target(%dma_start3A_208 : memref<10112x128xf32, #tpu.memory_space<vmem_shared>>) offsets(%dma_start3A_205 : memref<64xi32, #tpu.memory_space<vmem>>) semaphore(%run_scoped3A : memref<!tpu.dma_semaphore, #tpu.memory_space<semaphore_mem>>) {add = true}
        %dma_wait3A_209 = tpu.memref_slice %arg13[%mul3A_188] : memref<10368xi32, #tpu.memory_space<vmem>> -> memref<64xi32, #tpu.memory_space<vmem>>
        %dma_wait3A_210 = arith.constant 0 : i32
        %dma_wait3A_211 = arith.constant 0 : i32
        %dma_wait3A_212 = tpu.memref_slice %arg19[%dma_wait3A_210, %dma_wait3A_211] : memref<10112x128xf32, #tpu.memory_space<vmem_shared>> -> memref<10112x128xf32, #tpu.memory_space<vmem_shared>>
        tpu.wait_indirect_dma semaphore(%run_scoped3A : memref<!tpu.dma_semaphore, #tpu.memory_space<semaphore_mem>>) src(%arg14 : memref<64x128xf32, #tpu.memory_space<vmem>>) dst(%dma_wait3A_212 : memref<10112x128xf32, #tpu.memory_space<vmem_shared>>)
        tpu.yield
      }) : () -> ()
      %add3A_189 = arith.constant 2 : i32
      %add3A_190 = arith.addi %mul3A_165, %add3A_189 : i32
      %mul3A_191 = arith.constant 2 : i32
      %mul3A_192 = arith.muli %mul3A_191, %select_n3A_103 : i32
      %lt3A_193 = arith.cmpi slt, %add3A_190, %mul3A_192 : i32
      %convert_element_type3A_194 = arith.extui %lt3A_193 : i1 to i32
      %cond3A_195 = arith.constant 0 : i32
      %cond3A_196 = arith.cmpi ne, %convert_element_type3A_194, %cond3A_195 : i32
      scf.if %cond3A_196 {
        %add3A_205 = arith.constant 2 : i32
        %add3A_206 = arith.addi %mul3A_165, %add3A_205 : i32
        %mul3A_207 = arith.constant 64 : i32
        %mul3A_208 = arith.muli %add3A_206, %mul3A_207 : i32
        %dma_start3A_209 = tpu.memref_slice %arg12[%mul3A_208] : memref<10368xi32, #tpu.memory_space<vmem>> -> memref<64xi32, #tpu.memory_space<vmem>>
        %dma_start3A_210 = arith.constant 0 : i32
        %dma_start3A_211 = arith.constant 0 : i32
        %dma_start3A_212 = tpu.memref_slice %arg2[%dma_start3A_210, %dma_start3A_211] : memref<10000x128xf32, #tpu.memory_space<hbm>> -> memref<10000x128xf32, #tpu.memory_space<hbm>>
        tpu.enqueue_indirect_dma source(%dma_start3A_212 : memref<10000x128xf32, #tpu.memory_space<hbm>>) target(%arg14 : memref<64x128xf32, #tpu.memory_space<vmem>>) offsets(%dma_start3A_209 : memref<64xi32, #tpu.memory_space<vmem>>) semaphore(%arg21 : memref<!tpu.dma_semaphore, #tpu.memory_space<semaphore_mem>>)
      } else {
      }
      %mul3A_197 = arith.constant 64 : i32
      %mul3A_198 = arith.muli %add3A_169, %mul3A_197 : i32
      %dma_wait3A_199 = tpu.memref_slice %arg12[%mul3A_198] : memref<10368xi32, #tpu.memory_space<vmem>> -> memref<64xi32, #tpu.memory_space<vmem>>
      %dma_wait3A_200 = arith.constant 0 : i32
      %dma_wait3A_201 = arith.constant 0 : i32
      %dma_wait3A_202 = tpu.memref_slice %arg2[%dma_wait3A_200, %dma_wait3A_201] : memref<10000x128xf32, #tpu.memory_space<hbm>> -> memref<10000x128xf32, #tpu.memory_space<hbm>>
      tpu.wait_indirect_dma semaphore(%arg22 : memref<!tpu.dma_semaphore, #tpu.memory_space<semaphore_mem>>) src(%dma_wait3A_202 : memref<10000x128xf32, #tpu.memory_space<hbm>>) dst(%arg15 : memref<64x128xf32, #tpu.memory_space<vmem>>)
      %mul3A_203 = arith.constant 64 : i32
      %mul3A_204 = arith.muli %add3A_169, %mul3A_203 : i32
      "tpu.region"() ({
        %run_scoped3A = tpu.sem_alloc : memref<!tpu.dma_semaphore, #tpu.memory_space<semaphore_mem>>
        %dma_start3A_205 = tpu.memref_slice %arg13[%mul3A_204] : memref<10368xi32, #tpu.memory_space<vmem>> -> memref<64xi32, #tpu.memory_space<vmem>>
        %dma_start3A_206 = arith.constant 0 : i32
        %dma_start3A_207 = arith.constant 0 : i32
        %dma_start3A_208 = tpu.memref_slice %arg19[%dma_start3A_206, %dma_start3A_207] : memref<10112x128xf32, #tpu.memory_space<vmem_shared>> -> memref<10112x128xf32, #tpu.memory_space<vmem_shared>>
        tpu.enqueue_indirect_dma source(%arg15 : memref<64x128xf32, #tpu.memory_space<vmem>>) target(%dma_start3A_208 : memref<10112x128xf32, #tpu.memory_space<vmem_shared>>) offsets(%dma_start3A_205 : memref<64xi32, #tpu.memory_space<vmem>>) semaphore(%run_scoped3A : memref<!tpu.dma_semaphore, #tpu.memory_space<semaphore_mem>>) {add = true}
        %dma_wait3A_209 = tpu.memref_slice %arg13[%mul3A_204] : memref<10368xi32, #tpu.memory_space<vmem>> -> memref<64xi32, #tpu.memory_space<vmem>>
        %dma_wait3A_210 = arith.constant 0 : i32
        %dma_wait3A_211 = arith.constant 0 : i32
        %dma_wait3A_212 = tpu.memref_slice %arg19[%dma_wait3A_210, %dma_wait3A_211] : memref<10112x128xf32, #tpu.memory_space<vmem_shared>> -> memref<10112x128xf32, #tpu.memory_space<vmem_shared>>
        tpu.wait_indirect_dma semaphore(%run_scoped3A : memref<!tpu.dma_semaphore, #tpu.memory_space<semaphore_mem>>) src(%arg15 : memref<64x128xf32, #tpu.memory_space<vmem>>) dst(%dma_wait3A_212 : memref<10112x128xf32, #tpu.memory_space<vmem_shared>>)
        tpu.yield
      }) : () -> ()
    }
    %while3A_146 = arith.constant 0 : i32
    %while3A_147 = arith.constant 0 : i32
    %while3A_148 = arith.subi %select_n3A_103, %while3A_147 : i32
    %while3A_149 = arith.addi %while3A_147, %while3A_148 : i32
    %while3A_150 = arith.constant 1 : i32
    %while3A_151 = arith.divsi %while3A_148, %while3A_150 : i32
    %while3A_152 = arith.muli %while3A_151, %while3A_150 : i32
    %while3A_153 = arith.addi %while3A_147, %while3A_152 : i32
    %while3A_154 = arith.constant 1 : i32
    scf.for %while3A_163 = %while3A_147 to %while3A_153 step %while3A_154  : i32 {
      %dma_wait3A_164 = arith.constant 0 : i32
      %dma_wait3A_165 = tpu.memref_slice %arg13[%dma_wait3A_164] : memref<10368xi32, #tpu.memory_space<vmem>> -> memref<128xi32, #tpu.memory_space<vmem>>
      %dma_wait3A_166 = arith.constant 0 : i32
      %dma_wait3A_167 = tpu.memref_slice %arg20[%dma_wait3A_166] : memref<10240xf32, #tpu.memory_space<vmem_shared>> -> memref<10240xf32, #tpu.memory_space<vmem_shared>>
      tpu.wait_indirect_dma semaphore(%arg23 : memref<!tpu.dma_semaphore, #tpu.memory_space<semaphore_mem>>) src(%arg16 : memref<128xf32, #tpu.memory_space<vmem>>) dst(%dma_wait3A_167 : memref<10240xf32, #tpu.memory_space<vmem_shared>>)
    }
    %while3A_155 = arith.constant 1 : i32
    scf.for %while3A_163 = %while3A_153 to %while3A_149 step %while3A_155  : i32 {
      %dma_wait3A_164 = arith.constant 0 : i32
      %dma_wait3A_165 = tpu.memref_slice %arg13[%dma_wait3A_164] : memref<10368xi32, #tpu.memory_space<vmem>> -> memref<128xi32, #tpu.memory_space<vmem>>
      %dma_wait3A_166 = arith.constant 0 : i32
      %dma_wait3A_167 = tpu.memref_slice %arg20[%dma_wait3A_166] : memref<10240xf32, #tpu.memory_space<vmem_shared>> -> memref<10240xf32, #tpu.memory_space<vmem_shared>>
      tpu.wait_indirect_dma semaphore(%arg23 : memref<!tpu.dma_semaphore, #tpu.memory_space<semaphore_mem>>) src(%arg16 : memref<128xf32, #tpu.memory_space<vmem>>) dst(%dma_wait3A_167 : memref<10240xf32, #tpu.memory_space<vmem_shared>>)
    }
    %barrier3A_156 = arith.constant 0 : index
    tpu.barrier barrier_id(%barrier3A_156)
    %lt3A = arith.constant 10 : i32
    %lt3A_157 = arith.cmpi slt, %arg1, %lt3A : i32
    %convert_element_type3A_158 = arith.extui %lt3A_157 : i1 to i32
    %cond3A_159 = arith.constant 0 : i32
    %cond3A_160 = arith.cmpi ne, %convert_element_type3A_158, %cond3A_159 : i32
    scf.if %cond3A_160 {
      %mul3A_163 = arith.constant 1000 : i32
      %mul3A_164 = arith.muli %arg1, %mul3A_163 : i32
      "tpu.region"() ({
        %run_scoped3A = tpu.sem_alloc : memref<!tpu.dma_semaphore, #tpu.memory_space<semaphore_mem>>
        %dma_start3A_165 = arith.constant 0 : i32
        %dma_start3A_166 = arith.constant 0 : i32
        %dma_start3A_167 = tpu.memref_slice %arg7[%arg0, %dma_start3A_165, %dma_start3A_166] : memref<2x10000x128xf32, #tpu.memory_space<hbm>> -> memref<1x10000x128xf32, #tpu.memory_space<hbm>>
        %dma_start3A_168 = tpu.memref_squeeze %dma_start3A_167 : memref<1x10000x128xf32, #tpu.memory_space<hbm>> -> memref<10000x128xf32, #tpu.memory_space<hbm>>
        %dma_start3A_169 = arith.constant 0 : i32
        %dma_start3A_170 = tpu.memref_slice %dma_start3A_168[%mul3A_164, %dma_start3A_169] : memref<10000x128xf32, #tpu.memory_space<hbm>> -> memref<1000x128xf32, #tpu.memory_space<hbm>>
        %dma_start3A_171 = arith.constant 0 : i32
        %dma_start3A_172 = tpu.memref_slice %arg19[%mul3A_164, %dma_start3A_171] : memref<10112x128xf32, #tpu.memory_space<vmem_shared>> -> memref<1000x128xf32, #tpu.memory_space<vmem_shared>>
        tpu.enqueue_dma source(%dma_start3A_172 : memref<1000x128xf32, #tpu.memory_space<vmem_shared>>) target(%dma_start3A_170 : memref<1000x128xf32, #tpu.memory_space<hbm>>) target_semaphore(%run_scoped3A : memref<!tpu.dma_semaphore, #tpu.memory_space<semaphore_mem>>)
        %dma_wait3A_173 = arith.constant 0 : i32
        %dma_wait3A_174 = arith.constant 0 : i32
        %dma_wait3A_175 = tpu.memref_slice %arg7[%arg0, %dma_wait3A_173, %dma_wait3A_174] : memref<2x10000x128xf32, #tpu.memory_space<hbm>> -> memref<1x10000x128xf32, #tpu.memory_space<hbm>>
        %dma_wait3A_176 = tpu.memref_squeeze %dma_wait3A_175 : memref<1x10000x128xf32, #tpu.memory_space<hbm>> -> memref<10000x128xf32, #tpu.memory_space<hbm>>
        %dma_wait3A_177 = arith.constant 0 : i32
        %dma_wait3A_178 = tpu.memref_slice %dma_wait3A_176[%mul3A_164, %dma_wait3A_177] : memref<10000x128xf32, #tpu.memory_space<hbm>> -> memref<1000x128xf32, #tpu.memory_space<hbm>>
        %dma_wait3A_179 = arith.constant 0 : i32
        %dma_wait3A_180 = tpu.memref_slice %arg19[%mul3A_164, %dma_wait3A_179] : memref<10112x128xf32, #tpu.memory_space<vmem_shared>> -> memref<1000x128xf32, #tpu.memory_space<vmem_shared>>
        tpu.wait_dma2 semaphore(%run_scoped3A : memref<!tpu.dma_semaphore, #tpu.memory_space<semaphore_mem>>) src(%dma_wait3A_180 : memref<1000x128xf32, #tpu.memory_space<vmem_shared>>) dst(%dma_wait3A_178 : memref<1000x128xf32, #tpu.memory_space<hbm>>)
        tpu.yield
      }) : () -> ()
    } else {
    }
    %mul3A_161 = arith.constant 640 : i32
    %mul3A_162 = arith.muli %arg1, %mul3A_161 : i32
    "tpu.region"() ({
      %run_scoped3A = tpu.sem_alloc : memref<!tpu.dma_semaphore, #tpu.memory_space<semaphore_mem>>
      %dma_start3A_163 = arith.constant 0 : i32
      %dma_start3A_164 = tpu.memref_slice %arg8[%arg0, %dma_start3A_163] : memref<2x10240xf32, #tpu.memory_space<hbm>> -> memref<1x10240xf32, #tpu.memory_space<hbm>>
      %dma_start3A_165 = tpu.memref_squeeze %dma_start3A_164 : memref<1x10240xf32, #tpu.memory_space<hbm>> -> memref<10240xf32, #tpu.memory_space<hbm>>
      %dma_start3A_166 = tpu.memref_slice %dma_start3A_165[%mul3A_162] : memref<10240xf32, #tpu.memory_space<hbm>> -> memref<640xf32, #tpu.memory_space<hbm>>
      %dma_start3A_167 = tpu.memref_slice %arg20[%mul3A_162] : memref<10240xf32, #tpu.memory_space<vmem_shared>> -> memref<640xf32, #tpu.memory_space<vmem_shared>>
      tpu.enqueue_dma source(%dma_start3A_167 : memref<640xf32, #tpu.memory_space<vmem_shared>>) target(%dma_start3A_166 : memref<640xf32, #tpu.memory_space<hbm>>) target_semaphore(%run_scoped3A : memref<!tpu.dma_semaphore, #tpu.memory_space<semaphore_mem>>)
      %dma_wait3A_168 = arith.constant 0 : i32
      %dma_wait3A_169 = tpu.memref_slice %arg8[%arg0, %dma_wait3A_168] : memref<2x10240xf32, #tpu.memory_space<hbm>> -> memref<1x10240xf32, #tpu.memory_space<hbm>>
      %dma_wait3A_170 = tpu.memref_squeeze %dma_wait3A_169 : memref<1x10240xf32, #tpu.memory_space<hbm>> -> memref<10240xf32, #tpu.memory_space<hbm>>
      %dma_wait3A_171 = tpu.memref_slice %dma_wait3A_170[%mul3A_162] : memref<10240xf32, #tpu.memory_space<hbm>> -> memref<640xf32, #tpu.memory_space<hbm>>
      %dma_wait3A_172 = tpu.memref_slice %arg20[%mul3A_162] : memref<10240xf32, #tpu.memory_space<vmem_shared>> -> memref<640xf32, #tpu.memory_space<vmem_shared>>
      tpu.wait_dma2 semaphore(%run_scoped3A : memref<!tpu.dma_semaphore, #tpu.memory_space<semaphore_mem>>) src(%dma_wait3A_172 : memref<640xf32, #tpu.memory_space<vmem_shared>>) dst(%dma_wait3A_171 : memref<640xf32, #tpu.memory_space<hbm>>)
      tpu.yield
    }) : () -> ()
    return
  }
}

module attributes {stable_mosaic.version = 14 : i64} {
  func.func @body(%arg0: i32, %arg1: memref<400x128xf32, #tpu.memory_space<vmem>>, %arg2: memref<400x128xf32, #tpu.memory_space<vmem>>, %arg3: memref<1x400x128xf32, #tpu.memory_space<vmem>>, %arg4: memref<1x400x128xf32, #tpu.memory_space<vmem>>, %arg5: memref<1x400x1xf32, #tpu.memory_space<vmem>>, %arg6: memref<1x400x1xf32, #tpu.memory_space<vmem>>, %arg7: memref<128x128xf32, #tpu.memory_space<vmem>>, %arg8: memref<400x128xf32, #tpu.memory_space<vmem>>) attributes {dimension_semantics = [#tpu.dimension_semantics<arbitrary>], iteration_bounds = array<i64: 25>, scalar_prefetch = 0 : i64, scratch_operands = 0 : i64, tpu.core_type = #tpu.core_type<tc>, window_params = [{transform_indices = @transform_0, window_bounds = array<i64: 400, 128>}, {transform_indices = @transform_1, window_bounds = array<i64: 400, 128>}, {transform_indices = @transform_2, window_bounds = array<i64: 1, 400, 128>}, {transform_indices = @transform_3, window_bounds = array<i64: 1, 400, 128>}, {transform_indices = @transform_4, window_bounds = array<i64: 1, 400, 1>}, {transform_indices = @transform_5, window_bounds = array<i64: 1, 400, 1>}, {pipeline_mode = #tpu.pipeline_mode<synchronous>, transform_indices = @transform_6, window_bounds = array<i64: 128, 128>}, {transform_indices = @transform_7, window_bounds = array<i64: 400, 128>}]} {
    %get3A = arith.constant 0 : index
    %get3A_0 = arith.constant 0 : index
    %get3A_1 = vector.load %arg1[%get3A, %get3A_0] : memref<400x128xf32, #tpu.memory_space<vmem>>, vector<400x128xf32>
    %get3A_2 = arith.constant 0 : index
    %get3A_3 = arith.constant 0 : index
    %get3A_4 = arith.constant 0 : index
    %get3A_5 = vector.load %arg3[%get3A_2, %get3A_3, %get3A_4] : memref<1x400x128xf32, #tpu.memory_space<vmem>>, vector<1x400x128xf32>
    %squeeze3A = vector.shape_cast %get3A_5 : vector<1x400x128xf32> to vector<400x128xf32>
    %get3A_6 = arith.constant 0 : index
    %get3A_7 = arith.constant 0 : index
    %get3A_8 = arith.constant 0 : index
    %get3A_9 = vector.load %arg4[%get3A_6, %get3A_7, %get3A_8] : memref<1x400x128xf32, #tpu.memory_space<vmem>>, vector<1x400x128xf32>
    %squeeze3A_10 = vector.shape_cast %get3A_9 : vector<1x400x128xf32> to vector<400x128xf32>
    %add3A = arith.addf %squeeze3A, %squeeze3A_10 : vector<400x128xf32>
    %get3A_11 = arith.constant 0 : index
    %get3A_12 = arith.constant 0 : index
    %get3A_13 = vector.load %arg2[%get3A_11, %get3A_12] : memref<400x128xf32, #tpu.memory_space<vmem>>, vector<400x128xf32>
    %get3A_14 = arith.constant 0 : index
    %get3A_15 = arith.constant 0 : index
    %get3A_16 = vector.load %arg7[%get3A_14, %get3A_15] : memref<128x128xf32, #tpu.memory_space<vmem>>, vector<128x128xf32>
    %dot_general3A = arith.constant dense<0.000000e+00> : vector<400x128xf32>
    %dot_general3A_17 = tpu.matmul %add3A, %get3A_16, %dot_general3A {dimension_numbers = #tpu.dot_dimension_numbers<[1], [0], [0], [1], [0, 0, 1, 1], [], []>, transpose_lhs_hint = false} : vector<400x128xf32>, vector<128x128xf32>, vector<400x128xf32> -> vector<400x128xf32>
    %add3A_18 = arith.addf %get3A_13, %dot_general3A_17 : vector<400x128xf32>
    %max3A = arith.constant 0.000000e+00 : f32
    %max3A_19 = vector.broadcast %max3A : f32 to vector<400x128xf32>
    %max3A_20 = arith.maximumf %add3A_18, %max3A_19 : vector<400x128xf32>
    %get3A_21 = arith.constant 0 : index
    %get3A_22 = arith.constant 0 : index
    %get3A_23 = arith.constant 0 : index
    %get3A_24 = vector.load %arg5[%get3A_21, %get3A_22, %get3A_23] : memref<1x400x1xf32, #tpu.memory_space<vmem>>, vector<1x400x1xf32>
    %squeeze3A_25 = vector.shape_cast %get3A_24 : vector<1x400x1xf32> to vector<400x1xf32>
    %get3A_26 = arith.constant 0 : index
    %get3A_27 = arith.constant 0 : index
    %get3A_28 = arith.constant 0 : index
    %get3A_29 = vector.load %arg6[%get3A_26, %get3A_27, %get3A_28] : memref<1x400x1xf32, #tpu.memory_space<vmem>>, vector<1x400x1xf32>
    %squeeze3A_30 = vector.shape_cast %get3A_29 : vector<1x400x1xf32> to vector<400x1xf32>
    %add3A_31 = arith.addf %squeeze3A_25, %squeeze3A_30 : vector<400x1xf32>
    %gt3A = arith.constant 0.000000e+00 : f32
    %gt3A_32 = vector.broadcast %gt3A : f32 to vector<400x1xf32>
    %gt3A_33 = arith.cmpf ogt, %add3A_31, %gt3A_32 : vector<400x1xf32>
    %broadcast_in_dim3A = vector.shape_cast %gt3A_33 : vector<400x1xi1> to vector<400x1xi1>
    %broadcast_in_dim3A_34 = vector.broadcast %broadcast_in_dim3A : vector<400x1xi1> to vector<400x128xi1>
    %select_n3A = arith.select %broadcast_in_dim3A_34, %max3A_20, %get3A_1 : vector<400x128xi1>, vector<400x128xf32>
    %swap3A = arith.constant 0 : index
    %swap3A_35 = arith.constant 0 : index
    %swap3A_36 = vector.load %arg8[%swap3A, %swap3A_35] : memref<400x128xf32, #tpu.memory_space<vmem>>, vector<400x128xf32>
    tpu.vector_store %arg8[%swap3A, %swap3A_35], %select_n3A {strides = array<i32>} : memref<400x128xf32, #tpu.memory_space<vmem>>, vector<400x128xf32>,
    return
  }
  func.func @transform_0(%arg0: i32) -> (i32, i32) {
    %c0_i32 = arith.constant 0 : i32
    %c0_i32_0 = arith.constant 0 : i32
    return %arg0, %c0_i32 : i32, i32
  }
  func.func @transform_1(%arg0: i32) -> (i32, i32) {
    %c0_i32 = arith.constant 0 : i32
    %c0_i32_0 = arith.constant 0 : i32
    return %arg0, %c0_i32 : i32, i32
  }
  func.func @transform_2(%arg0: i32) -> (i32, i32, i32) {
    %c0_i32 = arith.constant 0 : i32
    %c0_i32_0 = arith.constant 0 : i32
    %c0_i32_1 = arith.constant 0 : i32
    return %c0_i32, %arg0, %c0_i32_0 : i32, i32, i32
  }
  func.func @transform_3(%arg0: i32) -> (i32, i32, i32) {
    %c1_i32 = arith.constant 1 : i32
    %c0_i32 = arith.constant 0 : i32
    %c0_i32_0 = arith.constant 0 : i32
    return %c1_i32, %arg0, %c0_i32 : i32, i32, i32
  }
  func.func @transform_4(%arg0: i32) -> (i32, i32, i32) {
    %c0_i32 = arith.constant 0 : i32
    %c0_i32_0 = arith.constant 0 : i32
    %c0_i32_1 = arith.constant 0 : i32
    return %c0_i32, %arg0, %c0_i32_0 : i32, i32, i32
  }
  func.func @transform_5(%arg0: i32) -> (i32, i32, i32) {
    %c1_i32 = arith.constant 1 : i32
    %c0_i32 = arith.constant 0 : i32
    %c0_i32_0 = arith.constant 0 : i32
    return %c1_i32, %arg0, %c0_i32 : i32, i32, i32
  }
  func.func @transform_6(%arg0: i32) -> (i32, i32) {
    %c0_i32 = arith.constant 0 : i32
    %c0_i32_0 = arith.constant 0 : i32
    %c0_i32_1 = arith.constant 0 : i32
    return %c0_i32, %c0_i32_0 : i32, i32
  }
  func.func @transform_7(%arg0: i32) -> (i32, i32) {
    %c0_i32 = arith.constant 0 : i32
    %c0_i32_0 = arith.constant 0 : i32
    return %arg0, %c0_i32 : i32, i32
  }
}

module attributes {stable_mosaic.version = 14 : i64} {
  func.func @body(%arg0: i32, %arg1: memref<400x128xf32, #tpu.memory_space<vmem>>, %arg2: memref<128x128xf32, #tpu.memory_space<vmem>>, %arg3: memref<1x128xf32, #tpu.memory_space<vmem>>, %arg4: memref<400x128xf32, #tpu.memory_space<vmem>>) attributes {dimension_semantics = [#tpu.dimension_semantics<arbitrary>], iteration_bounds = array<i64: 25>, scalar_prefetch = 0 : i64, scratch_operands = 0 : i64, tpu.core_type = #tpu.core_type<tc>, window_params = [{transform_indices = @transform_0, window_bounds = array<i64: 400, 128>}, {pipeline_mode = #tpu.pipeline_mode<synchronous>, transform_indices = @transform_1, window_bounds = array<i64: 128, 128>}, {pipeline_mode = #tpu.pipeline_mode<synchronous>, transform_indices = @transform_2, window_bounds = array<i64: 1, 128>}, {transform_indices = @transform_3, window_bounds = array<i64: 400, 128>}]} {
    %get3A = arith.constant 0 : index
    %get3A_0 = arith.constant 0 : index
    %get3A_1 = vector.load %arg1[%get3A, %get3A_0] : memref<400x128xf32, #tpu.memory_space<vmem>>, vector<400x128xf32>
    %get3A_2 = arith.constant 0 : index
    %get3A_3 = arith.constant 0 : index
    %get3A_4 = vector.load %arg2[%get3A_2, %get3A_3] : memref<128x128xf32, #tpu.memory_space<vmem>>, vector<128x128xf32>
    %dot_general3A = arith.constant dense<0.000000e+00> : vector<400x128xf32>
    %dot_general3A_5 = tpu.matmul %get3A_1, %get3A_4, %dot_general3A {dimension_numbers = #tpu.dot_dimension_numbers<[1], [0], [0], [1], [0, 0, 1, 1], [], []>, transpose_lhs_hint = false} : vector<400x128xf32>, vector<128x128xf32>, vector<400x128xf32> -> vector<400x128xf32>
    %get3A_6 = arith.constant 0 : index
    %get3A_7 = arith.constant 0 : index
    %get3A_8 = vector.load %arg3[%get3A_6, %get3A_7] : memref<1x128xf32, #tpu.memory_space<vmem>>, vector<1x128xf32>
    %add3A = vector.broadcast %get3A_8 : vector<1x128xf32> to vector<400x128xf32>
    %add3A_9 = arith.addf %dot_general3A_5, %add3A : vector<400x128xf32>
    %swap3A = arith.constant 0 : index
    %swap3A_10 = arith.constant 0 : index
    %swap3A_11 = vector.load %arg4[%swap3A, %swap3A_10] : memref<400x128xf32, #tpu.memory_space<vmem>>, vector<400x128xf32>
    tpu.vector_store %arg4[%swap3A, %swap3A_10], %add3A_9 {strides = array<i32>} : memref<400x128xf32, #tpu.memory_space<vmem>>, vector<400x128xf32>,
    return
  }
  func.func @transform_0(%arg0: i32) -> (i32, i32) {
    %c0_i32 = arith.constant 0 : i32
    %c0_i32_0 = arith.constant 0 : i32
    return %arg0, %c0_i32 : i32, i32
  }
  func.func @transform_1(%arg0: i32) -> (i32, i32) {
    %c0_i32 = arith.constant 0 : i32
    %c0_i32_0 = arith.constant 0 : i32
    %c0_i32_1 = arith.constant 0 : i32
    return %c0_i32, %c0_i32_0 : i32, i32
  }
  func.func @transform_2(%arg0: i32) -> (i32, i32) {
    %c0_i32 = arith.constant 0 : i32
    %c0_i32_0 = arith.constant 0 : i32
    %c0_i32_1 = arith.constant 0 : i32
    return %c0_i32, %c0_i32_0 : i32, i32
  }
  func.func @transform_3(%arg0: i32) -> (i32, i32) {
    %c0_i32 = arith.constant 0 : i32
    %c0_i32_0 = arith.constant 0 : i32
    return %arg0, %c0_i32 : i32, i32
  }
}

</mosaic_0001>

<sc_bundles>
// kernel: kernel.5.cloned.1.call-start
scs
__scs_entry_jumppad:
0x0: {  	(pc) =	sbr.rel $0x88, $3  }
0x1: {  	(tag) =	ssettag $0x0;
	lr =	simm.s32 $0x1  }
0x2: {  	[smem:$0x3F9B] =	sst lr;
	_ =	strace $0xD0000000  }
0x3: {  	_ = 	snop  }
0x4: {  	_ = 	snop  }
0x5: {  	_ = 	snop  }
0x6: {  	_ = 	snop  }
0x7: {  	_ = 	snop  }
__scs_overlays_trampoline_lowered:
0x8: {  	[smem:$0x3FAA] =	sst s0  }
0x9: {  	[smem:$0x3FAB] =	sst s1  }
0xa: {  	[smem:$0x3FAC] =	sst s2  }
0xb: {  	[smem:$0x3FAD] =	sst s3  }
0xc: {  	[smem:$0x3FAE] =	sst s4  }
0xd: {  	[smem:$0x3FAF] =	sst s5  }
0xe: {  	[smem:$0x3FB0] =	sst s6  }
0xf: {  	[smem:$0x3FB1] =	sst s7  }
0x10: {  	[smem:$0x3FB2] =	sst s8  }
0x11: {  	[smem:$0x3FB3] =	sst s9;
	s0 =	simm.s32 @!p0 $0x0  }
0x12: {  	s1 =	sld [smem:$0x3F99];
	s0 =	simm.s32 @p0 $0x1  }
0x13: {  	[smem:$0x3FB4] =	sst s0;
	s0 =	simm.s32 @!p1 $0x0  }
0x14: {  	s2 =	sld [smem:$0x3F98];
	s0 =	simm.s32 @p1 $0x1  }
0x15: {  	[smem:$0x3FB5] =	sst s0;
	s0 =	simm.s32 @!p2 $0x0  }
0x16: {  	s3 =	sld [smem:$0x3FDB];
	s0 =	simm.s32 @p2 $0x1  }
0x17: {  	s4 =	simm.s32 $0x1BF5;
	[smem:$0x3FB7] =	sst s0  }
0x18: {  	s0 =	sld [smem:$0x3F9A];
	_ =	swait.ge [sflag:s4], $0x0  }
0x19: {  	s7 =	sld [smem:$0x3F9B]  }
0x1a: {  	s8 =	sadd.s32 $0xFFFFE003, lr  }
0x1b: {  	s9 =	sadd.s32 $0xFFFFFEF7, lr;
	s5 =	simm.s32 $0xFFFFFFFF;
	p2 =	slt.u32 s8, $0xFFFFF086  }
0x1c: {  	p1 =	slt.u32 s9, $0xF7A;
	s5 =	simm.s32 @!p2 $0x0  }
0x1d: {  	s5 =	simm.s32 @p1 $0x1;
	p0 =	seq.s32 s7, s2  }
0x1e: {  	s7 =	smul.u32 @!p0 $0xF7A, s2;
	p2 =	seq.s32 @!p0 s5, $0x0  }
0x1f: {  	s9 =	smul.u32 $0xF7A, s1;
	s8 =	simm.s32 @!p0 $0x1BF5;
	p2 =	por !p2, p0  }
0x20: {  	[sflag:s8] =	ssyncset.s32 @!p0 $0xFFFFF086;
	s6 =	sadd.s32 @!p0 s3, s7;
	s7 =	simm.s32 @!p0 $0x108  }
0x21: {  	s3 =	sadd.s32 s3, s9;
	s6 =	sadd.s32 @!p0 $0x88, s6;
	s7 =	simm.s32 @p2 $0x1082  }
0x22: {  	[simem:s7], [sflag:s8] =	dma.local @!p0 [hbm:s6], $0xF7A  }
0x23: {  	s9 =	sor.u32 $0xD0000000, s2;
	s6 =	simm.s32 $0x108;
	_ =	swait.ge @!p0 [sflag:s8], $0x0  }
0x24: {  	s3 =	sadd.s32 $0x88, s3;
	s6 =	simm.s32 @!p1 $0x1082;
	[sflag:s4] =	ssyncset.s32 $0xFFFFF086  }
0x25: {  	[simem:s6], [sflag:s4] =	dma.local [hbm:s3], $0xF7A  }
0x26: {  	[smem:$0x3F9B] =	sst s1;
	(tag) =	ssettag s2;
	_ =	strace s9  }
0x27: {  	s1 =	sld [smem:$0x3FAB]  }
0x28: {  	s2 =	sld [smem:$0x3FAC]  }
0x29: {  	s4 =	sld [smem:$0x3FAE]  }
0x2a: {  	p0 =	seq.s32 s5, $0x0;
	s5 =	sld [smem:$0x3FAF]  }
0x2b: {  	s6 =	sld [smem:$0x3FB0]  }
0x2c: {  	s7 =	sld [smem:$0x3FB1]  }
0x2d: {  	s3 =	simm.s32 $0x108;
	s8 =	sld [smem:$0x3FB2]  }
0x2e: {  	s3 =	simm.s32 @!p0 $0x1082;
	s9 =	sld [smem:$0x3FB3]  }
0x2f: {  	lr =	sadd.s32 s0, s3;
	s0 =	sld [smem:$0x3FAA]  }
0x30: {  	s3 =	sld [smem:$0x3FAD]  }
0x31: {  	[smem:$0x3FB6] =	sst s10  }
0x32: {  	s10 =	sld [smem:$0x3FB4];
	_ =	sdelay $0x3  }
0x33: {  	p0 =	seq.s32 s10, $0x1;
	s10 =	sld [smem:$0x3FB6];
	_ =	sdelay $0x3  }
0x34: {  	[smem:$0x3FB6] =	sst s10  }
0x35: {  	s10 =	sld [smem:$0x3FB5];
	_ =	sdelay $0x3  }
0x36: {  	p1 =	seq.s32 s10, $0x1;
	s10 =	sld [smem:$0x3FB6];
	_ =	sdelay $0x3  }
0x37: {  	[smem:$0x3FB6] =	sst s10  }
0x38: {  	s10 =	sld [smem:$0x3FB7]  }
0x39: {  	_ = 	snop;
	(pc) =	sbr.ind lr, $3  }
0x3a: {  	_ = 	snop  }
0x3b: {  	_ = 	snop  }
0x3c: {  	p2 =	seq.s32 s10, $0x1;
	s10 =	sld [smem:$0x3FB6]  }
0x3d: {  	_ =	shalt  }
0x3e: {  	_ =	shalt  }
0x3f: {  	_ =	shalt  }
0x40: {  	_ =	shalt  }
0x41: {  	_ =	shalt  }
0x42: {  	_ =	shalt  }
0x43: {  	_ =	shalt  }
0x44: {  	_ =	shalt  }
0x45: {  	_ =	shalt  }
0x46: {  	_ =	shalt  }
0x47: {  	_ =	shalt  }
0x48: {  	_ =	shalt  }
0x49: {  	_ =	shalt  }
0x4a: {  	_ =	shalt  }
0x4b: {  	_ =	shalt  }
0x4c: {  	_ =	shalt  }
0x4d: {  	_ =	shalt  }
0x4e: {  	_ =	shalt  }
0x4f: {  	_ =	shalt  }
0x50: {  	_ =	shalt  }
0x51: {  	_ =	shalt  }
0x52: {  	_ =	shalt  }
0x53: {  	_ =	shalt  }
0x54: {  	_ =	shalt  }
0x55: {  	_ =	shalt  }
0x56: {  	_ =	shalt  }
0x57: {  	_ =	shalt  }
0x58: {  	_ =	shalt  }
0x59: {  	_ =	shalt  }
0x5a: {  	_ =	shalt  }
0x5b: {  	_ =	shalt  }
0x5c: {  	_ =	shalt  }
0x5d: {  	_ =	shalt  }
0x5e: {  	_ =	shalt  }
0x5f: {  	_ =	shalt  }
0x60: {  	_ =	shalt  }
0x61: {  	_ =	shalt  }
0x62: {  	_ =	shalt  }
0x63: {  	_ =	shalt  }
0x64: {  	_ =	shalt  }
0x65: {  	_ =	shalt  }
0x66: {  	_ =	shalt  }
0x67: {  	_ =	shalt  }
0x68: {  	_ =	shalt  }
0x69: {  	_ =	shalt  }
0x6a: {  	_ =	shalt  }
0x6b: {  	_ =	shalt  }
0x6c: {  	_ =	shalt  }
0x6d: {  	_ =	shalt  }
0x6e: {  	_ =	shalt  }
0x6f: {  	_ =	shalt  }
0x70: {  	_ =	shalt  }
0x71: {  	_ =	shalt  }
0x72: {  	_ =	shalt  }
0x73: {  	_ =	shalt  }
0x74: {  	_ =	shalt  }
0x75: {  	_ =	shalt  }
0x76: {  	_ =	shalt  }
0x77: {  	_ =	shalt  }
0x78: {  	_ =	shalt  }
0x79: {  	_ =	shalt  }
0x7a: {  	_ =	shalt  }
0x7b: {  	_ =	shalt  }
0x7c: {  	_ =	shalt  }
0x7d: {  	_ =	shalt  }
0x7e: {  	_ =	shalt  }
0x7f: {  	_ =	shalt  }
0x80: {  	_ =	shalt  }
0x81: {  	_ =	shalt  }
0x82: {  	_ =	shalt  }
0x83: {  	_ =	shalt  }
0x84: {  	_ =	shalt  }
0x85: {  	_ =	shalt  }
0x86: {  	_ =	shalt  }
0x87: {  	_ =	shalt  }
.Lfunc_end0:
.L_simem_size_0:
called_computation_lowered:
.L_overlay_start_0:
0x88: {  	s2 =	sld [smem:$0x3FD9]  }
0x89: {  	s3 =	sld [smem:$0x3FFE];
	_ =	sdelay $0x1  }
0x8a: {  	s1 =	srdreg.scid  }
0x8b: {  	s0 =	sand.u32 $0x1, s1  }
0x8c: {  	s17 =	sshll.u32 s0, $0xA;
	s2 =	sadd.s32 s3, s2  }
0x8d: {  	s2 =	sadd.s32 s2, s17  }
0x8e: {  	[smem:$0x3FC2] =	sst s2  }
0x8f: {  	_ = 	snop  }
0x90: {  	s2 =	sld [smem:$0x3FC9]  }
0x91: {  	s18 =	sld [smem:$0x3FD0];
	(tm) =	ssettm $0x1  }
0x92: {  	s4 =	sld [smem:$0x3FFB];
	_ =	sdelay $0x3  }
0x93: {  	_ =	strace s4  }
0x94: {  	s4 =	sld [smem:$0x3FFC];
	_ =	sdelay $0x3  }
0x95: {  	_ =	strace s4  }
0x96: {  	s4 =	sld [smem:$0x3FFD];
	_ =	sdelay $0x3  }
0x97: {  	_ =	strace s4  }
0x98: {  	_ =	strace $0x8FFFFFFF  }
0x99: {  	s19 =	sld [smem:$0x3FDB];
	_ =	sdelay $0x1  }
0x9a: {  	s5 =	simm.s32 $_scs_section_size  }
0x9b: {  	s6 =	simm.s32 $_size__tile_overlayer_lowered;
	s7 =	simm.s32 $_tile_overlayer_lowered  }
0x9c: {  	s22 =	simm.s32 $0x1BFF;
	s21 =	sshll.u32 s7, $0x1;
	s4 =	sadd.s32 s5, s19  }
0x9d: {  	s8 =	simm.s32 $0x0;
	s20 =	sshll.u32 s6, $0x1;
	s6 =	sadd.s32 s21, s4  }
0x9e: {  	[timem:s8], [sflag:s22] =	dma.local [hbm:s6], s20  }
0x9f: {  	_ =	swait.ge [sflag:s22], s20  }
0xa0: {  	s5 =	ssub.s32 $0x0, s20;
	[sflag:s22] =	ssyncset.done $0x0  }
0xa1: {  	[sflag:s22] =	ssyncadd.s32 s5;
	_ =	sdelay $0x1  }
0xa2: {  	s23 =	simm.s32 $0x1B8B  }
0xa3: {  	_ =	swait.ge [sflag:s23], $0x1  }
0xa4: {  	[sflag:s23] =	ssyncset.done $0x0  }
0xa5: {  	s25 =	simm.s32 $0x1B8E;
	s24 =	sld [smem:$0x3FFE];
	[sflag:s23] =	ssyncadd.s32 $0xFFFFFFFF  }
0xa6: {  	s26 =	simm.s32 $execute0_lowered;
	[smem:$0x3FD2] =	sst s25  }
0xa7: {  	s6 =	sshll.u32 s26, $0x1;
	_ =	strace $0x80000046;
	[dreg:$0x1] =	wrdreg $0xFFFFFFFF  }
0xa8: {  	s28 =	simm.s32 $_size_execute0_lowered;
	s4 =	sadd.s32 s4, s6;
	[dreg:$0x0] =	wrdreg $0x0  }
0xa9: {  	s6 =	sshll.u32 s28, $0x1;
	[dreg:$0x2] =	wrdreg s4  }
0xaa: {  	[dreg:$0x3] =	wrdreg s6  }
0xab: {  	[dreg:$0x4] =	wrdreg $0xC0  }
0xac: {  	_ =	task [dreg:s8], $0x5FFFF  }
0xad: {  	[dreg:$0x1] =	wrdreg $0xFFFFFFFF  }
0xae: {  	[dreg:$0x0] =	wrdreg $0x60  }
0xaf: {  	[dreg:$0x2] =	wrdreg s2  }
0xb0: {  	[dreg:$0x3] =	wrdreg s18  }
0xb1: {  	[dreg:$0x4] =	wrdreg s24  }
0xb2: {  	[dreg:$0x5] =	wrdreg $0xA3800  }
0xb3: {  	[dreg:$0x6] =	wrdreg $0x1DF800  }
0xb4: {  	[dreg:$0x7] =	wrdreg $0x9  }
0xb5: {  	_ =	task.clear_ibuf [dreg:s8], $0x8FFFF;
	_ =	strace $0x90000046  }
0xb6: {  	s29 =	simm.s32 $0x9;
	_ =	strace $0x80000048  }
0xb7: {  	_ =	swait.ge [sflag:s29], $0x1  }
0xb8: {  	[sflag:s29] =	ssyncadd.s32 $0xFFFFFFFF  }
0xb9: {  	_ =	strace $0x90000048  }
0xba: {  	_ =	sfence  }
0xbb: {  	s30 =	sld [smem:$0x0];
	_ =	sdelay $0x2  }
0xbc: {  	s31 =	sshll.u32 s1, $0xD;
	s1 =	sshrl.u32 s1, $0x2  }
0xbd: {  	s3 =	sand.u32 $0x4000, s31;
	s1 =	sadd.s32 s1, s30  }
0xbe: {  	s0 =	sor.u32 s3, s0;
	s1 =	sshll.u32 s1, $0x11  }
0xbf: {  	s0 =	sor.u32 s1, s0  }
0xc0: {  	s0 =	sadd.s32 $0x8F2B, s0  }
0xc1: {  	[sflag:s0] =	ssyncadd.remote.s32 $0x1  }
0xc2: {  	_ =	sfence.sel $0xFFFF  }
0xc3: {  	[dreg:$0x0] =	wrdreg $0xFFFFFFFF;
	(pc) =	sbr.abs _section_cstart, $3  }
0xc4: {  	[dreg:$0x1] =	wrdreg $0xFFFFFFFF  }
0xc5: {  	_ =	task.clear_ibuf [dreg:s8], $0x2FFFF;
	_ =	strace $0x9FFFFFFF  }
0xc6: {  	(tm) =	ssettm $0x7FFFFFFF  }
0xc7: {  	_ =	shalt  }
tec
execute0_lowered:
.L_overlay_start_1:
0x0: {  	(tag) =	ssettag $0x1  }
0x1: {  	s0 =	rddreg [dreg:$0x2]  }
0x2: {  	s7 =	rddreg [dreg:$0x3]  }
0x3: {  	s8 =	rddreg [dreg:$0x4];
	s1 =	simm.s32 $0x0;
	s11 =	srdreg.scid  }
0x4: {  	s9 =	stileid.u32;
	s28 =	simm.s32 $0x6;
	[smem:$0x7FF] =	sst s1  }
0x5: {  	s10 =	sadd.s32 $0xB200, s0;
	s2 =	sadd.s32 $0x1200, s0;
	s6 =	smul.u32 $0x4F000, s9  }
0x6: {  	s1 =	sand.u32 $0x1, s11;
	s14 =	sshll.u32 s9, $0x1;
	s16 =	smul.u32 $0xA00, s9  }
0x7: {  	_ =	strace $0x80000047;
	[dreg:$0x6] =	wrdreg s10;
	s13 =	smul.u32 $0x27100, s1  }
0x8: {  	s3 =	ssub.s32 $0x2, s1;
	s4 =	sshll.u32 s1, $0x4;
	s1 =	sor.u32 s1, s14  }
0x9: {  	s12 =	sadd.s32 $0x15200, s0;
	[dreg:$0x7] =	wrdreg s2;
	s1 =	smul.u32 $0x2800, s1  }
0xa: {  	s17 =	smul.u32 $0x7D000, s9;
	[dreg:$0x8] =	wrdreg s12;
	s15 =	sshrl.u32 s6, $0x2  }
0xb: {  	s19 =	sshrl.u32 s16, $0x2;
	s10 =	sadd.s32 s15, s7;
	[dreg:$0xa] =	wrdreg s1  }
0xc: {  	s5 =	sshrl.u32 s3, $0x1;
	s6 =	sadd.s32 s19, s8;
	[dreg:$0x9] =	wrdreg s10  }
0xd: {  	s3 =	ssub.s32 s3, s5;
	s18 =	sadd.s32 $0x12000, s10;
	[dreg:$0xc] =	wrdreg s6  }
0xe: {  	s21 =	smul.u32 $0xA0, s9;
	s3 =	smax.u32 s3, $0x1;
	[dreg:$0xb] =	wrdreg s18  }
0xf: {  	p0 =	sgt.u32 s9, $0x9;
	s22 =	sadd.s32 $0x2000, s10;
	[dreg:$0xd] =	wrdreg s3  }
0x10: {  	s12 =	simm.s32 $0x6000;
	s23 =	sadd.s32 $0x4000, s10;
	[dreg:$0xe] =	wrdreg s22  }
0x11: {  	s20 =	sshrl.u32 s17, $0x2;
	s24 =	sadd.s32 $0x6000, s10;
	[dreg:$0xf] =	wrdreg s23  }
0x12: {  	s2 =	sadd.s32 s13, s0;
	s25 =	sadd.s32 $0x8000, s10;
	[dreg:$0x10] =	wrdreg s24  }
0x13: {  	s0 =	sadd.s32 s4, s0;
	s26 =	sadd.s32 $0xA000, s10;
	[dreg:$0x11] =	wrdreg s25  }
0x14: {  	s4 =	smul.u32 $0x3E80, s9;
	s29 =	sadd.s32 $0xC000, s10;
	[dreg:$0x12] =	wrdreg s26  }
0x15: {  	s1 =	sadd.s32 $0x15E00, s2;
	s30 =	sadd.s32 $0xE000, s10;
	[dreg:$0x13] =	wrdreg s29  }
.Ltmp0:
0x16: {  	s31 =	sadd.s32 $0x10000, s10;
	[dreg:$0x15] =	wrdreg s30;
	(pc) =	sbr.rel .LBB2_1-.Ltmp0, $4  }
0x17: {  	s0 =	sadd.s32 $0x15400, s0;
	s1 =	sadd.s32 @!p0 s4, s1;
	[dreg:$0x17] =	wrdreg s31  }
0x18: {  	s2 =	sadd.s32 s20, s7;
	s0 =	sadd.s32 s21, s0;
	[dreg:$0x14] =	wrdreg s1  }
0x19: {  	s17 =	simm.s32 $0x2;
	[dreg:$0x16] =	wrdreg s0;
	s0 =	sshrl.u32 @!p0 s2, $0x3  }
0x1a: {  	v0 =	vimm.f32 $0.0e+00;
	v1 =	vimm.f32 $1.000000000e+00;
	v2 =	vimm.s32 $0x9C40000;
	s7 =	simm.s32 $0x0;
	s18 =	simm.s32 $0x3;
	[dreg:$0x18] =	wrdreg s0  }
.LBB2_19:
0x1b: {  	[sflag:s18] =	ssyncadd.s32 $0xFFFFFF80;
	s7 =	rddreg [dreg:$0x19]  }
.LBB2_20:
0x1c: {  	s1 =	stileid.u32;
	[bflag:$0x0] =	sbarrier.arrive $0xFFFF  }
0x1d: {  	s0 =	sshll.u32 @!p0 s1, $0x6;
	s2 =	rddreg [dreg:$0x14]  }
0x1e: {  	s3 =	rddreg [dreg:$0x18];
	s0 =	sor.u32 @!p0 $0x1C06, s0  }
0x1f: {  	[hbm:s2], [sflag:s0] =	dma.local @!p0 [spmem:s3], $0x3E80  }
0x20: {  	s4 =	simm.s32 $0x20;
	s0 =	simm.s32 @!p0 $0x6  }
0x21: {  	s5 =	simm.s32 $0x10;
	s1 =	sshll.u32 s1, $0x6;
	_ =	swait.ge @!p0 [sflag:s0], $0x3E80  }
0x22: {  	s26 =	sor.u32 $0x1C06, s1;
	[sflag:s0] =	ssyncset.done @!p0 $0x0;
	s6 =	rddreg [dreg:$0xc]  }
0x23: {  	s30 =	rddreg [dreg:$0x16];
	[sflag:s0] =	ssyncadd.s32 @!p0 $0xFFFFC180;
	s29 =	sshrl.u32 s6, $0x3  }
0x24: {  	[hbm:s30@s4], [sflag:s26] =	dma.strided [spmem:s29@s5], $0x50, s13, $0x10   }
0x25: {  	_ =	swait.ge [sflag:s28], $0x50  }
0x26: {  	s7 =	sadd.s32 $0x1, s7;
	s31 =	rddreg [dreg:$0xd]  }
0x27: {  	p1 =	sne.s32 s7, s31  }
.Ltmp1:
0x28: {  	_ = 	snop;
	(pc) =	sbr.rel @!p1 .LBB2_21-.Ltmp1, $3  }
0x29: {  	_ =	sdelay $0x1  }
0x2a: {  	[sflag:s28] =	ssyncset.done $0x0  }
0x2b: {  	s2 =	stileid.u32;
	[sflag:s28] =	ssyncadd.s32 $0xFFFFFFB0  }
.LBB2_1:
0x2c: {  	[dreg:$0x19] =	wrdreg s7  }
0x2d: {  	s1 =	simm.s32 $0x0;
	s0 =	rddreg [dreg:$0x8];
	s2 =	simm.s32 $0xA300  }
0x2e: {  	[tilespmem:s2], [sflag:$0x6] =	stream.linear.gather [hbm4b:s0+s1], $0x80, $0x38;
	[tilespmem:$0x1E200] =	vst v63  }
0x2f: {  	s30 =	sand.u32 $0x7E00, s1;
	s1 =	sand.u32 $0x70, s1;
	_ =	swait.ge [sflag:s28], $0x80  }
0x30: {  	s0 =	simm.s32 $0x40;
	s31 =	sshrl.u32 s30, $0x2;
	[sflag:s28] =	ssyncset.done $0x0  }
0x31: {  	s2 =	sor.u32 s1, s31;
	s1 =	simm.s32 $0x0;
	[sflag:s28] =	ssyncadd.s32 $0xFFFFFF80  }
.LBB2_2:
0x32: {  	p1 =	sne.s32 s0, $0x7FC0  }
0x33: {  	[tilespmem:s2+$0x6000] =	vst v0;
	s1 =	sadd.s32 $0x10, s1;
	s2 =	smov.u32 s0;
	s0 =	sadd.s32 $0x40, s0  }
.Ltmp2:
0x34: {  	(pc) =	sbr.rel @p1 .LBB2_2-.Ltmp2, $4  }
0x35: {  	_ = 	snop  }
0x36: {  	s2 =	sand.u32 $0x7E00, s2  }
0x37: {  	s3 =	sand.u32 $0x70, s1;
	s2 =	sshrl.u32 s2, $0x2  }
0x38: {  	s2 =	sor.u32 s3, s2  }
0x39: {  	[tilespmem:s2+$0x6000] =	vst v0  }
0x3a: {  	[tilespmem:$0xA080] =	vst v0  }
0x3b: {  	[tilespmem:$0xA090] =	vst v0  }
0x3c: {  	[tilespmem:$0xA0A0] =	vst v0  }
0x3d: {  	[tilespmem:$0xA0B0] =	vst v0  }
0x3e: {  	[tilespmem:$0xA0C0] =	vst v0  }
0x3f: {  	[tilespmem:$0xA0D0] =	vst v0  }
0x40: {  	[tilespmem:$0xA0E0] =	vst v0  }
0x41: {  	[tilespmem:$0xA0F0] =	vst v0  }
0x42: {  	[tilespmem:$0xA100] =	vst v0  }
0x43: {  	[tilespmem:$0xA110] =	vst v0  }
0x44: {  	[tilespmem:$0xA120] =	vst v0  }
0x45: {  	[tilespmem:$0xA130] =	vst v0  }
0x46: {  	[tilespmem:$0xA140] =	vst v0  }
0x47: {  	[tilespmem:$0xA150] =	vst v0  }
0x48: {  	[tilespmem:$0xA160] =	vst v0  }
0x49: {  	[tilespmem:$0xA170] =	vst v0  }
0x4a: {  	[tilespmem:$0xA180] =	vst v0  }
0x4b: {  	[tilespmem:$0xA190] =	vst v0  }
0x4c: {  	[tilespmem:$0xA1A0] =	vst v0  }
0x4d: {  	[tilespmem:$0xA1B0] =	vst v0  }
0x4e: {  	[tilespmem:$0xA1C0] =	vst v0  }
0x4f: {  	[tilespmem:$0xA1D0] =	vst v0  }
0x50: {  	[tilespmem:$0xA1E0] =	vst v0  }
0x51: {  	[tilespmem:$0xA1F0] =	vst v0  }
0x52: {  	[tilespmem:$0xA200] =	vst v0  }
0x53: {  	[tilespmem:$0xA210] =	vst v0  }
0x54: {  	[tilespmem:$0xA220] =	vst v0  }
0x55: {  	[tilespmem:$0xA230] =	vst v0  }
0x56: {  	[tilespmem:$0xA240] =	vst v0  }
0x57: {  	[tilespmem:$0xA250] =	vst v0  }
0x58: {  	[tilespmem:$0xA260] =	vst v0  }
0x59: {  	[tilespmem:$0xA270] =	vst v0  }
0x5a: {  	[tilespmem:$0xA280] =	vst v0  }
0x5b: {  	[tilespmem:$0xA290] =	vst v0  }
0x5c: {  	[tilespmem:$0xA2A0] =	vst v0  }
0x5d: {  	[tilespmem:$0xA2B0] =	vst v0  }
0x5e: {  	[tilespmem:$0xA2C0] =	vst v0  }
0x5f: {  	[tilespmem:$0xA2D0] =	vst v0  }
0x60: {  	[tilespmem:$0xA2E0] =	vst v0  }
0x61: {  	s0 =	rddreg [dreg:$0x9];
	[tilespmem:$0xA2F0] =	vst v0  }
0x62: {  	[spmem:s0] =	stream.linear.scatter [tilespmem:s12], [sflag:$0x4], $0x2000, $0x38;
	[tilespmem:$0x1E200] =	vst v63  }
0x63: {  	s20 =	rddreg [dreg:$0xe]  }
0x64: {  	[spmem:s20] =	stream.linear.scatter [tilespmem:s12], [sflag:$0x4], $0x2000, $0x38;
	[tilespmem:$0x1E200] =	vst v63  }
0x65: {  	s21 =	rddreg [dreg:$0xf]  }
0x66: {  	[spmem:s21] =	stream.linear.scatter [tilespmem:s12], [sflag:$0x4], $0x2000, $0x38;
	[tilespmem:$0x1E200] =	vst v63  }
0x67: {  	s22 =	rddreg [dreg:$0x10]  }
0x68: {  	[spmem:s22] =	stream.linear.scatter [tilespmem:s12], [sflag:$0x4], $0x2000, $0x38;
	[tilespmem:$0x1E200] =	vst v63  }
0x69: {  	s23 =	rddreg [dreg:$0x11]  }
0x6a: {  	[spmem:s23] =	stream.linear.scatter [tilespmem:s12], [sflag:$0x4], $0x2000, $0x38;
	[tilespmem:$0x1E200] =	vst v63  }
0x6b: {  	s24 =	rddreg [dreg:$0x12]  }
0x6c: {  	[spmem:s24] =	stream.linear.scatter [tilespmem:s12], [sflag:$0x4], $0x2000, $0x38;
	[tilespmem:$0x1E200] =	vst v63  }
0x6d: {  	s25 =	rddreg [dreg:$0x13]  }
0x6e: {  	[spmem:s25] =	stream.linear.scatter [tilespmem:s12], [sflag:$0x4], $0x2000, $0x38;
	[tilespmem:$0x1E200] =	vst v63  }
0x6f: {  	s26 =	rddreg [dreg:$0x15]  }
0x70: {  	[spmem:s26] =	stream.linear.scatter [tilespmem:s12], [sflag:$0x4], $0x2000, $0x38;
	[tilespmem:$0x1E200] =	vst v63  }
0x71: {  	s29 =	rddreg [dreg:$0x17]  }
0x72: {  	[spmem:s29] =	stream.linear.scatter [tilespmem:s12], [sflag:$0x4], $0x2000, $0x38;
	[tilespmem:$0x1E200] =	vst v63  }
0x73: {  	s30 =	rddreg [dreg:$0xb]  }
0x74: {  	[spmem:s30] =	stream.linear.scatter [tilespmem:s12], [sflag:$0x4], $0x1C00, $0x38;
	[tilespmem:$0x1E200] =	vst v63  }
0x75: {  	s31 =	simm.s32 $0xA080  }
0x76: {  	[spmem:s6] =	stream.linear.scatter [tilespmem:s31], [sflag:$0x4], $0x280, $0x38;
	[tilespmem:$0x1E200] =	vst v63  }
0x77: {  	v3 =	vld [tilespmem:$0xA300];
	_ =	sdelay $0x4  }
0x78: {  	(v2sf) =	vpush v3, $0x0;
	_ =	sdelay $0x7  }
0x79: {  	[tilespmem:$0xA000] =	vst v1  }
0x7a: {  	[tilespmem:$0xA010] =	vst v1  }
0x7b: {  	[tilespmem:$0xA020] =	vst v1  }
0x7c: {  	[tilespmem:$0xA030] =	vst v1  }
0x7d: {  	[tilespmem:$0xA040] =	vst v1  }
0x7e: {  	[tilespmem:$0xA050] =	vst v1  }
0x7f: {  	[tilespmem:$0xA060] =	vst v1  }
0x80: {  	s4 =	simm.s32 $0x0;
	s23 =	simm.s32 $0x0;
	[tilespmem:$0xA070] =	vst v1;
	s20 =	spop (v2sf)  }
.LBB2_4:
0x81: {  	s0 =	smul.u32 $0x500, s4  }
0x82: {  	s1 =	rddreg [dreg:$0xa]  }
0x83: {  	[dreg:$0x1a] =	wrdreg s4;
	s0 =	sadd.s32 s1, s0  }
0x84: {  	s21 =	rddreg [dreg:$0x1];
	s0 =	sshrl.u32 s0, $0x3  }
0x85: {  	s3 =	simm.s32 $0x0;
	s22 =	rddreg [dreg:$0x6];
	s1 =	sadd.s32 s21, s0  }
0x86: {  	[tilespmem:s3], [sflag:$0x5] =	stream.linear.gather [hbm4b:s1+s3], $0x500, $0x38;
	[tilespmem:$0x1E200] =	vst v63  }
0x87: {  	s2 =	simm.s32 $0x500;
	s24 =	rddreg [dreg:$0x7];
	s1 =	sadd.s32 s22, s0  }
0x88: {  	[tilespmem:s2], [sflag:$0x5] =	stream.linear.gather [hbm4b:s1+s3], $0x500, $0x38;
	[tilespmem:$0x1E200] =	vst v63  }
0x89: {  	s25 =	simm.s32 $0xA00;
	s26 =	simm.s32 $0x5;
	s0 =	sadd.s32 s24, s0  }
0x8a: {  	[tilespmem:s25], [sflag:$0x5] =	stream.linear.gather [hbm4b:s0+s3], $0x500, $0x38;
	[tilespmem:$0x1E200] =	vst v63  }
0x8b: {  	_ =	swait.ge [sflag:s26], $0x500  }
0x8c: {  	[sflag:s26] =	ssyncset.done $0x0  }
0x8d: {  	[sflag:s26] =	ssyncadd.s32 $0xFFFFFB00  }
0x8e: {  	_ =	swait.ge [sflag:s26], $0x500  }
0x8f: {  	[sflag:s26] =	ssyncset.done $0x0  }
0x90: {  	[sflag:s26] =	ssyncadd.s32 $0xFFFFFB00  }
0x91: {  	_ =	swait.ge [sflag:s26], $0x500  }
0x92: {  	[sflag:s26] =	ssyncset.done $0x0  }
0x93: {  	s30 =	simm.s32 $0x0;
	[sflag:s26] =	ssyncadd.s32 $0xFFFFFB00  }
0x94: {  	v4 =	vld [tilespmem:s30+$0x0];
	_ =	sdelay $0x2  }
0x95: {  	v3 =	vld [tilespmem:s30+$0xA00];
	_ =	sdelay $0x1  }
0x96: {  	(v2sf) =	vpush v4, $0xA  }
0x97: {  	v5 =	vld [tilespmem:s30+$0x500];
	(v2sf) =	vpush v4, $0xF  }
0x98: {  	(v2sf) =	vpush v4, $0xE  }
0x99: {  	(v2sf) =	vpush v3, $0xA  }
0x9a: {  	(v2sf) =	vpush v4, $0x8  }
0x9b: {  	(v2sf) =	vpush v3, $0x9  }
0x9c: {  	v5 =	vshll.u32 v5, $0xE;
	(v2sf) =	vpush v4, $0x9  }
0x9d: {  	(v2sf) =	vpush v5, $0xD  }
0x9e: {  	(v2sf) =	vpush v5, $0xA  }
0x9f: {  	(v2sf) =	vpush v3, $0x8  }
0xa0: {  	(v2sf) =	vpush v4, $0x7  }
0xa1: {  	(v2sf) =	vpush v5, $0x6  }
0xa2: {  	(v2sf) =	vpush v3, $0x7  }
0xa3: {  	(v2sf) =	vpush v5, $0x9  }
0xa4: {  	(v2sf) =	vpush v4, $0x6  }
0xa5: {  	(v2sf) =	vpush v5, $0x8;
	s5 =	spop (v2sf)  }
0xa6: {  	(v2sf) =	vpush v5, $0x7;
	s24 =	spop (v2sf)  }
0xa7: {  	(v2sf) =	vpush v4, $0x5;
	s25 =	spop (v2sf)  }
0xa8: {  	(v2sf) =	vpush v4, $0x4;
	s13 =	spop (v2sf)  }
0xa9: {  	(v2sf) =	vpush v3, $0x5;
	s6 =	spop (v2sf)  }
0xaa: {  	(v2sf) =	vpush v3, $0x6;
	s9 =	spop (v2sf)  }
0xab: {  	(v2sf) =	vpush v5, $0x5;
	s0 =	spop (v2sf)  }
0xac: {  	(v2sf) =	vpush v5, $0x3;
	s7 =	spop (v2sf)  }
0xad: {  	(v2sf) =	vpush v3, $0x4;
	s19 =	spop (v2sf)  }
0xae: {  	(v2sf) =	vpush v5, $0x4;
	s26 =	spop (v2sf)  }
0xaf: {  	(v2sf) =	vpush v4, $0x3;
	s11 =	spop (v2sf)  }
0xb0: {  	(v2sf) =	vpush v3, $0x3;
	s29 =	spop (v2sf)  }
0xb1: {  	(v2sf) =	vpush v4, $0x2;
	s21 =	spop (v2sf)  }
0xb2: {  	(v2sf) =	vpush v5, $0x2;
	s8 =	spop (v2sf)  }
0xb3: {  	(v2sf) =	vpush v5, $0x1;
	s3 =	spop (v2sf)  }
0xb4: {  	(v2sf) =	vpush v3, $0x2;
	s15 =	spop (v2sf)  }
0xb5: {  	(v2sf) =	vpush v4, $0x1;
	s1 =	spop (v2sf)  }
0xb6: {  	s10 =	simm.s32 $0x40;
	(v2sf) =	vpush v4, $0x0;
	s31 =	spop (v2sf)  }
.LBB2_5:
0xb7: {  	p1 =	sne.s32 s10, $0x13C0  }
0xb8: {  	(v2sf) =	vpush v3, $0x1;
	s22 =	spop (v2sf);
	s2 =	smov.u32 s10;
	s10 =	sadd.s32 $0x40, s10  }
0xb9: {  	(v2sf) =	vpush v5, $0x0;
	s4 =	spop (v2sf)  }
0xba: {  	s3 =	sor.u32 s3, s29;
	p2 =	seq.s32 s4, s20;
	(v2sf) =	vpush v3, $0x0;
	s16 =	spop (v2sf)  }
0xbb: {  	p3 =	seq.s32 s21, s20;
	s21 =	simm.s32 $0x1;
	s4 =	spop (v2sf)  }
0xbc: {  	s1 =	sor.u32 s11, s1;
	s11 =	simm.s32 $0x1;
	s14 =	spop (v2sf);
	(v2sf) =	vpush v3, $0xB  }
0xbd: {  	s6 =	sor.u32 s6, s15;
	s8 =	sor.u32 s0, s8;
	s29 =	spop (v2sf)  }
0xbe: {  	s0 =	simm.s32 $0x1;
	v6 =	vmov s3;
	s11 =	simm.s32 @!p3 $0x0;
	s3 =	spop (v2sf);
	(v2sf) =	vpush v3, $0xC  }
0xbf: {  	v8 =	vmov s6;
	s6 =	simm.s32 $0x1;
	s21 =	simm.s32 @!p2 $0x0;
	s30 =	spop (v2sf);
	(v2sf) =	vpush v4, $0xB  }
0xc0: {  	p2 =	seq.s32 s26, s20;
	s26 =	simm.s32 $0x1;
	s12 =	spop (v2sf);
	(v2sf) =	vpush v5, $0xB  }
0xc1: {  	s6 =	simm.s32 @!p2 $0x0;
	p3 =	seq.s32 s12, s20;
	s12 =	spop (v2sf);
	(v2sf) =	vpush v3, $0xD  }
0xc2: {  	p2 =	seq.s32 s9, s20;
	s26 =	simm.s32 @!p3 $0x0;
	s15 =	spop (v2sf);
	(v2sf) =	vpush v4, $0xC  }
0xc3: {  	v7 =	vmov s1;
	s15 =	sor.u32 s12, s15;
	s12 =	sor.u32 s30, s14;
	s1 =	spop (v2sf);
	(v2sf) =	vpush v5, $0xC  }
0xc4: {  	s0 =	simm.s32 @!p2 $0x0;
	s3 =	sor.u32 s22, s3;
	s9 =	spop (v2sf)  }
0xc5: {  	s14 =	spop (v2sf);
	(v2sf) =	vpush v4, $0xD;
	p2 =	seq.s32 s9, s20;
	s9 =	simm.s32 $0x1  }
0xc6: {  	v9 =	vmov s8;
	p3 =	seq.s32 s29, s20;
	v4 =	vmov s12;
	s8 =	spop (v2sf);
	(v2sf) =	vpush v5, $0xE;
	s9 =	simm.s32 @!p2 $0x0  }
0xc7: {  	p2 =	seq.s32 s13, s20;
	s1 =	sor.u32 s14, s1;
	s12 =	spop (v2sf);
	(v2sf) =	vpush v5, $0xF  }
0xc8: {  	v5 =	vmov s3;
	p4 =	seq.s32 s12, s20;
	s3 =	spop (v2sf);
	(v2sf) =	vpush v3, $0xE;
	s12 =	simm.s32 $0x1  }
0xc9: {  	v10 =	vmov s1;
	s1 =	sor.u32 s5, s19;
	s5 =	spop (v2sf);
	s12 =	simm.s32 @!p4 $0x0  }
0xca: {  	(v2sf) =	vpush v3, $0xF;
	v3 =	vmov s1;
	s1 =	sor.u32 s8, s3;
	p5 =	seq.s32 s5, s20;
	s5 =	simm.s32 $0x1  }
0xcb: {  	p4 =	seq.s32 s16, s20;
	v11 =	vmov s1;
	s1 =	simm.s32 $0x1;
	s5 =	simm.s32 @!p2 $0x0  }
0xcc: {  	s8 =	simm.s32 $0x1;
	s1 =	simm.s32 @!p5 $0x0;
	s3 =	spop (v2sf)  }
0xcd: {  	s4 =	sor.u32 s31, s4;
	s8 =	simm.s32 @!p3 $0x0;
	s1 =	sadd.s32 s1, s23  }
0xce: {  	p3 =	seq.s32 s3, s20;
	[tilespmem:s23+$0x3780] =	vst v11;
	v11 =	vmov s4;
	s3 =	spop (v2sf);
	s4 =	simm.s32 $0x1  }
0xcf: {  	[tilespmem:s1+$0x3780] =	vst v10;
	s1 =	sadd.s32 s12, s1;
	v10 =	vmov s15;
	p2 =	seq.s32 s3, s20;
	s3 =	spop (v2sf)  }
0xd0: {  	s4 =	simm.s32 @!p4 $0x0;
	[tilespmem:s1+$0x3780] =	vst v10;
	s1 =	sadd.s32 s9, s1;
	s9 =	spop (v2sf)  }
0xd1: {  	[tilespmem:s1+$0x3780] =	vst v4;
	s1 =	sadd.s32 s26, s1;
	s3 =	sor.u32 s3, s9;
	s9 =	spop (v2sf)  }
0xd2: {  	[tilespmem:s1+$0x3780] =	vst v5;
	s1 =	sadd.s32 s8, s1  }
0xd3: {  	p4 =	seq.s32 s9, s20;
	s8 =	spop (v2sf);
	s9 =	simm.s32 $0x1  }
0xd4: {  	[tilespmem:s1+$0x3780] =	vst v11;
	s1 =	sadd.s32 s21, s1;
	s9 =	simm.s32 @!p3 $0x0;
	s12 =	spop (v2sf)  }
0xd5: {  	v4 =	vmov s3;
	[tilespmem:s1+$0x3780] =	vst v6;
	s1 =	sadd.s32 s4, s1;
	s3 =	sor.u32 s8, s12;
	s4 =	simm.s32 $0x1  }
0xd6: {  	s4 =	simm.s32 @!p2 $0x0;
	v5 =	vmov s3;
	s3 =	simm.s32 $0x1  }
0xd7: {  	[tilespmem:s1+$0x3780] =	vst v7;
	s1 =	sadd.s32 s11, s1;
	s3 =	simm.s32 @!p4 $0x0;
	s8 =	spop (v2sf)  }
0xd8: {  	[tilespmem:s1+$0x3780] =	vst v8;
	s1 =	sadd.s32 s6, s1;
	s6 =	sor.u32 s8, s7;
	s7 =	spop (v2sf)  }
0xd9: {  	[tilespmem:s1+$0x3780] =	vst v9;
	s0 =	sadd.s32 s0, s1;
	v6 =	vmov s6;
	s1 =	sor.u32 s25, s7;
	s6 =	spop (v2sf)  }
0xda: {  	[tilespmem:s0+$0x3780] =	vst v3;
	s0 =	sadd.s32 s5, s0;
	s5 =	sor.u32 s24, s6;
	s6 =	spop (v2sf)  }
0xdb: {  	[tilespmem:s0+$0x3780] =	vst v4;
	s0 =	sadd.s32 s9, s0;
	p2 =	seq.s32 s6, s20;
	s6 =	spop (v2sf)  }
0xdc: {  	v3 =	vmov s1;
	s1 =	simm.s32 $0x1;
	[tilespmem:s0+$0x3780] =	vst v5;
	s0 =	sadd.s32 s4, s0;
	p3 =	seq.s32 s6, s20  }
0xdd: {  	s1 =	simm.s32 @!p2 $0x0;
	[tilespmem:s0+$0x3780] =	vst v6;
	s0 =	sadd.s32 s3, s0  }
0xde: {  	[tilespmem:s0+$0x3780] =	vst v3;
	s0 =	sadd.s32 s1, s0;
	s1 =	simm.s32 $0x1  }
0xdf: {  	s2 =	sshra.s32 s2, $0x2;
	v3 =	vmov s5;
	s1 =	simm.s32 @!p3 $0x0  }
0xe0: {  	[tilespmem:s0+$0x3780] =	vst v3;
	s23 =	sadd.s32 s1, s0  }
0xe1: {  	v4 =	vld [tilespmem:s2+$0x0]  }
0xe2: {  	v3 =	vld [tilespmem:s2+$0xA00];
	_ =	sdelay $0x2  }
0xe3: {  	v5 =	vld [tilespmem:s2+$0x500]  }
0xe4: {  	(v2sf) =	vpush v4, $0xA  }
0xe5: {  	(v2sf) =	vpush v4, $0xF  }
0xe6: {  	(v2sf) =	vpush v4, $0xE  }
0xe7: {  	(v2sf) =	vpush v3, $0xA  }
0xe8: {  	v5 =	vshll.u32 v5, $0xE;
	(v2sf) =	vpush v4, $0x8  }
0xe9: {  	(v2sf) =	vpush v3, $0x9  }
0xea: {  	(v2sf) =	vpush v4, $0x9  }
0xeb: {  	(v2sf) =	vpush v5, $0xD  }
0xec: {  	(v2sf) =	vpush v5, $0xA  }
0xed: {  	(v2sf) =	vpush v3, $0x8  }
0xee: {  	(v2sf) =	vpush v4, $0x7  }
0xef: {  	(v2sf) =	vpush v5, $0x6  }
0xf0: {  	(v2sf) =	vpush v3, $0x7  }
0xf1: {  	(v2sf) =	vpush v5, $0x9  }
0xf2: {  	(v2sf) =	vpush v4, $0x6  }
0xf3: {  	(v2sf) =	vpush v5, $0x8;
	s5 =	spop (v2sf)  }
0xf4: {  	(v2sf) =	vpush v5, $0x7;
	s24 =	spop (v2sf)  }
0xf5: {  	(v2sf) =	vpush v4, $0x5;
	s25 =	spop (v2sf)  }
0xf6: {  	(v2sf) =	vpush v4, $0x4;
	s13 =	spop (v2sf)  }
0xf7: {  	(v2sf) =	vpush v3, $0x5;
	s6 =	spop (v2sf)  }
0xf8: {  	(v2sf) =	vpush v3, $0x6;
	s9 =	spop (v2sf)  }
0xf9: {  	(v2sf) =	vpush v5, $0x5;
	s0 =	spop (v2sf)  }
0xfa: {  	(v2sf) =	vpush v5, $0x3;
	s7 =	spop (v2sf)  }
0xfb: {  	(v2sf) =	vpush v3, $0x4;
	s19 =	spop (v2sf)  }
0xfc: {  	(v2sf) =	vpush v5, $0x4;
	s26 =	spop (v2sf)  }
0xfd: {  	(v2sf) =	vpush v4, $0x3;
	s11 =	spop (v2sf)  }
0xfe: {  	(v2sf) =	vpush v3, $0x3;
	s29 =	spop (v2sf)  }
0xff: {  	(v2sf) =	vpush v4, $0x2;
	s21 =	spop (v2sf)  }
.Ltmp3:
0x100: {  	(v2sf) =	vpush v5, $0x2;
	s8 =	spop (v2sf);
	(pc) =	sbr.rel @p1 .LBB2_5-.Ltmp3, $4  }
0x101: {  	(v2sf) =	vpush v5, $0x1;
	s3 =	spop (v2sf)  }
0x102: {  	(v2sf) =	vpush v3, $0x2;
	s15 =	spop (v2sf)  }
0x103: {  	(v2sf) =	vpush v4, $0x1;
	s1 =	spop (v2sf)  }
0x104: {  	(v2sf) =	vpush v4, $0x0;
	s31 =	spop (v2sf)  }
0x105: {  	s12 =	spop (v2sf)  }
0x106: {  	s4 =	spop (v2sf);
	(v2sf) =	vpush v3, $0x1  }
0x107: {  	s29 =	sor.u32 s3, s29;
	p2 =	seq.s32 s21, s20;
	s2 =	spop (v2sf);
	(v2sf) =	vpush v5, $0x0  }
0x108: {  	s11 =	sor.u32 s11, s1;
	s10 =	simm.s32 $0x1;
	s22 =	spop (v2sf)  }
0x109: {  	s6 =	sor.u32 s6, s15;
	s15 =	simm.s32 $0x1;
	(v2sf) =	vpush v3, $0x0;
	s14 =	spop (v2sf)  }
0x10a: {  	s8 =	sor.u32 s0, s8;
	s0 =	simm.s32 $0x1;
	s30 =	spop (v2sf)  }
0x10b: {  	p3 =	seq.s32 s13, s20;
	s13 =	simm.s32 $0x1;
	s3 =	spop (v2sf);
	(v2sf) =	vpush v3, $0xB  }
0x10c: {  	s5 =	sor.u32 s5, s19;
	s10 =	simm.s32 @!p2 $0x0;
	p2 =	seq.s32 s26, s20  }
0x10d: {  	p1 =	seq.s32 s4, s20;
	s4 =	simm.s32 $0x1;
	s21 =	spop (v2sf);
	(v2sf) =	vpush v3, $0xC  }
0x10e: {  	s15 =	simm.s32 @!p2 $0x0;
	s4 =	simm.s32 @!p1 $0x0;
	s16 =	spop (v2sf)  }
0x10f: {  	p5 =	seq.s32 s2, s20;
	s2 =	simm.s32 $0x1;
	s1 =	spop (v2sf);
	(v2sf) =	vpush v4, $0xB  }
0x110: {  	p1 =	seq.s32 s16, s20;
	s16 =	simm.s32 $0x1;
	s26 =	spop (v2sf);
	(v2sf) =	vpush v5, $0xB  }
0x111: {  	s14 =	sor.u32 s21, s14;
	s16 =	simm.s32 @!p1 $0x0;
	(v2sf) =	vpush v3, $0xD;
	s21 =	spop (v2sf)  }
0x112: {  	p1 =	seq.s32 s9, s20;
	s1 =	sor.u32 s1, s26;
	(v2sf) =	vpush v4, $0xC;
	s26 =	spop (v2sf)  }
0x113: {  	s0 =	simm.s32 @!p1 $0x0;
	(v2sf) =	vpush v5, $0xC;
	p1 =	seq.s32 s26, s20;
	s26 =	spop (v2sf)  }
0x114: {  	s19 =	sor.u32 s31, s22;
	s3 =	sor.u32 s12, s3;
	s12 =	spop (v2sf);
	(v2sf) =	vpush v4, $0xD  }
0x115: {  	p4 =	seq.s32 s30, s20;
	s21 =	sor.u32 s26, s21;
	(v2sf) =	vpush v5, $0xE;
	s26 =	spop (v2sf)  }
0x116: {  	s22 =	simm.s32 $0x1;
	s2 =	simm.s32 @!p4 $0x0;
	s9 =	spop (v2sf);
	(v2sf) =	vpush v5, $0xF  }
0x117: {  	s13 =	simm.s32 @!p1 $0x0;
	p2 =	seq.s32 s26, s20;
	s26 =	simm.s32 $0x1;
	(v2sf) =	vpush v3, $0xE  }
0x118: {  	s30 =	spop (v2sf);
	s12 =	sor.u32 s12, s9;
	s9 =	simm.s32 $0x1  }
0x119: {  	s26 =	simm.s32 @!p2 $0x0;
	p6 =	seq.s32 s30, s20;
	s9 =	simm.s32 @!p3 $0x0  }
0x11a: {  	(v2sf) =	vpush v3, $0xF;
	v3 =	vmov s12;
	s12 =	simm.s32 $0x1;
	s22 =	simm.s32 @!p6 $0x0;
	s30 =	spop (v2sf)  }
0x11b: {  	v57 =	vmov s21;
	[tilespmem:s23+$0x3780] =	vst v3;
	s22 =	sadd.s32 s22, s23;
	s23 =	simm.s32 $0x1;
	p2 =	seq.s32 s30, s20  }
0x11c: {  	v3 =	vmov s1;
	s31 =	spop (v2sf);
	s26 =	sadd.s32 s26, s22;
	[tilespmem:s22+$0x3780] =	vst v57;
	s23 =	simm.s32 @!p5 $0x0  }
0x11d: {  	v58 =	vmov s14;
	p1 =	seq.s32 s31, s20;
	s13 =	sadd.s32 s13, s26;
	[tilespmem:s26+$0x3780] =	vst v3;
	s12 =	simm.s32 @!p2 $0x0  }
0x11e: {  	v3 =	vmov s3;
	s30 =	spop (v2sf);
	s16 =	sadd.s32 s16, s13;
	[tilespmem:s13+$0x3780] =	vst v58;
	s13 =	simm.s32 $0x1  }
0x11f: {  	v59 =	vmov s19;
	s31 =	spop (v2sf);
	s2 =	sadd.s32 s2, s16;
	[tilespmem:s16+$0x3780] =	vst v3;
	s13 =	simm.s32 @!p1 $0x0  }
0x120: {  	v3 =	vmov s29;
	s1 =	sor.u32 s30, s31;
	s22 =	spop (v2sf);
	s4 =	sadd.s32 s4, s2;
	[tilespmem:s2+$0x3780] =	vst v59  }
0x121: {  	v60 =	vmov s11;
	p3 =	seq.s32 s22, s20;
	s26 =	spop (v2sf);
	s31 =	sadd.s32 s23, s4;
	[tilespmem:s4+$0x3780] =	vst v3  }
0x122: {  	v3 =	vmov s6;
	s30 =	spop (v2sf);
	s11 =	sadd.s32 s10, s31;
	[tilespmem:s31+$0x3780] =	vst v60;
	s31 =	rddreg [dreg:$0x1a]  }
0x123: {  	v61 =	vmov s8;
	s3 =	sor.u32 s26, s30;
	s14 =	spop (v2sf);
	s16 =	sadd.s32 s15, s11;
	[tilespmem:s11+$0x3780] =	vst v3  }
0x124: {  	v3 =	vmov s5;
	s2 =	sor.u32 s14, s7;
	s19 =	spop (v2sf);
	s0 =	sadd.s32 s0, s16;
	[tilespmem:s16+$0x3780] =	vst v61  }
0x125: {  	v62 =	vmov s1;
	s4 =	sor.u32 s25, s19;
	s22 =	sadd.s32 s9, s0;
	[tilespmem:s0+$0x3780] =	vst v3;
	s21 =	spop (v2sf)  }
0x126: {  	v3 =	vmov s3;
	s25 =	sadd.s32 s12, s22;
	[tilespmem:s22+$0x3780] =	vst v62;
	s23 =	sor.u32 s24, s21;
	s24 =	spop (v2sf)  }
0x127: {  	v63 =	vmov s2;
	s2 =	simm.s32 $0x1;
	[tilespmem:s25+$0x3780] =	vst v3;
	v3 =	vmov s4;
	s4 =	sadd.s32 $0x1, s31;
	p1 =	seq.s32 s24, s20  }
0x128: {  	s2 =	simm.s32 @!p1 $0x0;
	p1 =	seq.s32 s4, $0x8  }
.Ltmp4:
0x129: {  	s10 =	simm.s32 $0x1;
	(pc) =	sbr.rel @!p1 .LBB2_4-.Ltmp4, $4  }
0x12a: {  	s10 =	simm.s32 @!p3 $0x0;
	s29 =	sadd.s32 s13, s25;
	s26 =	spop (v2sf)  }
0x12b: {  	s3 =	simm.s32 $0x1;
	s30 =	sadd.s32 s10, s29;
	[tilespmem:s29+$0x3780] =	vst v63;
	p2 =	seq.s32 s26, s20  }
0x12c: {  	[tilespmem:s30+$0x3780] =	vst v3;
	v3 =	vmov s23;
	s1 =	sadd.s32 s2, s30;
	s3 =	simm.s32 @!p2 $0x0  }
0x12d: {  	[tilespmem:s1+$0x3780] =	vst v3;
	s23 =	sadd.s32 s3, s1  }
0x12e: {  	s0 =	sadd.s32 $0x3F, s23  }
0x12f: {  	s1 =	sand.u32 $0x3F, s0  }
0x130: {  	s2 =	sshra.s32 s0, $0x1F;
	p1 =	slt.s32 s0, $0x1;
	p2 =	sne.s32 s1, $0x0  }
0x131: {  	s29 =	sshrl.u32 s2, $0x1A;
	p1 =	por !p1, !p2  }
0x132: {  	s1 =	simm.s32 $0x1;
	s0 =	sadd.s32 s29, s0;
	p1 =	por !p1, !p1  }
0x133: {  	s0 =	sshra.s32 s0, $0x6;
	s1 =	simm.s32 @!p1 $0x0  }
0x134: {  	s0 =	ssub.s32 s0, s1  }
0x135: {  	s1 =	sadd.s32 $0x1, s0  }
0x136: {  	s30 =	sand.u32 $0x1, s1  }
0x137: {  	p5 =	slt.s32 s0, $0x0;
	p6 =	seq.s32 s30, $0x1  }
0x138: {  	s31 =	sshrl.u32 s1, $0x1F;
	p1 =	por !p5, !p6  }
0x139: {  	s0 =	sadd.s32 s31, s1;
	s1 =	simm.s32 $0x1;
	p1 =	por !p1, !p1  }
0x13a: {  	[tilespmem:s23+$0x3780] =	vst v2;
	s0 =	sshra.s32 s0, $0x1;
	s1 =	simm.s32 @!p1 $0x0  }
0x13b: {  	[tilespmem:s23+$0x3790] =	vst v2;
	s2 =	ssub.s32 s0, s1  }
0x13c: {  	[tilespmem:s23+$0x37A0] =	vst v2;
	p1 =	sgt.s32 s2, $0x0  }
.Ltmp5:
0x13d: {  	[tilespmem:s23+$0x37B0] =	vst v2;
	(pc) =	sbr.rel @!p1 .LBB2_14-.Ltmp5, $4  }
0x13e: {  	[tilespmem:s23+$0x37C0] =	vst v2;
	s9 =	rddreg [dreg:$0x0]  }
0x13f: {  	[tilespmem:s23+$0x37D0] =	vst v2;
	s10 =	rddreg [dreg:$0x3]  }
0x140: {  	[tilespmem:s23+$0x37E0] =	vst v2;
	s11 =	rddreg [dreg:$0x4];
	s13 =	simm.s32 $0x1;
	s14 =	simm.s32 $0x40  }
0x141: {  	[tilespmem:s23+$0x37F0] =	vst v2;
	s15 =	simm.s32 $0x8000;
	s16 =	simm.s32 $0x80;
	s19 =	simm.s32 $0xA000  }
0x142: {  	s3 =	sshll.u32 s2, $0x3  }
0x143: {  	p3 =	seq.s32 s3, $0x1  }
.Ltmp6:
0x144: {  	_ = 	snop;
	(pc) =	sbr.rel @p3 .LBB2_9-.Ltmp6, $3  }
0x145: {  	_ =	sdelay $0x1  }
0x146: {  	s1 =	simm.s32 $0x3780  }
0x147: {  	s0 =	simm.s32 $0xF00;
	p2 =	por $0x0, $0x0;
	v3 =	vld [tilespmem:s1+$0x0];
	s3 =	sadd.s32 $0xFFFFFFFF, s3  }
0x148: {  	_ =	sdelay $0x2  }
0x149: {  	p3 =	seq.s32 s3, $0x1  }
.Ltmp7:
0x14a: {  	v4 =	vand.u32 $0x3FFF, v3;
	(pc) =	sbr.rel @p3 .LBB2_11-.Ltmp7, $4  }
0x14b: {  	v3 =	vshra.s32 v3, $0xE;
	[tilespmem:s0+$0x0] =	vst v4  }
0x14c: {  	[tilespmem:s1+$0x0] =	vst v3;
	s1 =	simm.s32 $0x3790  }
0x14d: {  	v3 =	vld [tilespmem:s1+$0x0]  }
0x14e: {  	s4 =	sadd.s32 $0xFFFFFFFF, s3;
	p2 =	por $0x1, $0x1;
	s3 =	simm.s32 $0xF00  }
.LBB2_12:
0x14f: {  	p3 =	seq.s32 s4, $0x1;
	_ =	sdelay $0x2  }
.Ltmp8:
0x150: {  	s3 =	sadd.s32 $0x10, s3;
	v4 =	vand.u32 $0x3FFF, v3;
	v3 =	vshra.s32 v3, $0xE;
	(pc) =	sbr.rel @!p3 .LBB2_12-.Ltmp8, $4  }
0x151: {  	[tilespmem:s3+$0x0] =	vst v4  }
0x152: {  	[tilespmem:s1+$0x0] =	vst v3;
	s1 =	sadd.s32 $0x10, s1  }
0x153: {  	v3 =	vld [tilespmem:s1+$0x0]  }
0x154: {  	s4 =	sadd.s32 $0xFFFFFFFF, s4  }
.LBB2_13:
0x155: {  	_ =	sdelay $0x1  }
0x156: {  	s3 =	sadd.s32 @p2 $0x10, s3  }
0x157: {  	s0 =	smov.u32 @p2 s3;
	v4 =	vand.u32 $0x3FFF, v3  }
0x158: {  	v3 =	vshra.s32 v3, $0xE;
	[tilespmem:s0+$0x0] =	vst v4  }
0x159: {  	[tilespmem:s1+$0x0] =	vst v3  }
.LBB2_14:
0x15a: {  	s0 =	simm.s32 $0x4  }
0x15b: {  	_ =	swait.ge [sflag:s0], $0x2000  }
0x15c: {  	[sflag:s0] =	ssyncset.done $0x0  }
0x15d: {  	[sflag:s0] =	ssyncadd.s32 $0xFFFFE000  }
0x15e: {  	_ =	swait.ge [sflag:s0], $0x2000  }
0x15f: {  	[sflag:s0] =	ssyncset.done $0x0  }
0x160: {  	[sflag:s0] =	ssyncadd.s32 $0xFFFFE000  }
0x161: {  	_ =	swait.ge [sflag:s0], $0x2000  }
0x162: {  	[sflag:s0] =	ssyncset.done $0x0  }
0x163: {  	[sflag:s0] =	ssyncadd.s32 $0xFFFFE000  }
0x164: {  	_ =	swait.ge [sflag:s0], $0x2000  }
0x165: {  	[sflag:s0] =	ssyncset.done $0x0  }
0x166: {  	[sflag:s0] =	ssyncadd.s32 $0xFFFFE000  }
0x167: {  	_ =	swait.ge [sflag:s0], $0x2000  }
0x168: {  	[sflag:s0] =	ssyncset.done $0x0  }
0x169: {  	[sflag:s0] =	ssyncadd.s32 $0xFFFFE000  }
0x16a: {  	_ =	swait.ge [sflag:s0], $0x2000  }
0x16b: {  	[sflag:s0] =	ssyncset.done $0x0  }
0x16c: {  	[sflag:s0] =	ssyncadd.s32 $0xFFFFE000  }
0x16d: {  	_ =	swait.ge [sflag:s0], $0x2000  }
0x16e: {  	[sflag:s0] =	ssyncset.done $0x0  }
0x16f: {  	[sflag:s0] =	ssyncadd.s32 $0xFFFFE000  }
0x170: {  	_ =	swait.ge [sflag:s0], $0x2000  }
0x171: {  	[sflag:s0] =	ssyncset.done $0x0  }
0x172: {  	[sflag:s0] =	ssyncadd.s32 $0xFFFFE000  }
0x173: {  	_ =	swait.ge [sflag:s0], $0x2000  }
0x174: {  	[sflag:s0] =	ssyncset.done $0x0  }
0x175: {  	[sflag:s0] =	ssyncadd.s32 $0xFFFFE000  }
0x176: {  	_ =	swait.ge [sflag:s0], $0x1C00  }
0x177: {  	[sflag:s0] =	ssyncset.done $0x0  }
0x178: {  	[sflag:s0] =	ssyncadd.s32 $0xFFFFE400  }
.Ltmp9:
0x179: {  	_ =	swait.ge [sflag:s0], $0x280;
	(pc) =	sbr.rel @!p1 .LBB2_20-.Ltmp9, $4  }
0x17a: {  	[sflag:s0] =	ssyncset.done $0x0  }
0x17b: {  	[sflag:s0] =	ssyncadd.s32 $0xFFFFFD80  }
0x17c: {  	[bflag:$0x0] =	sbarrier.arrive $0xFFFF  }
0x17d: {  	s12 =	simm.s32 $0x6000;
	s7 =	rddreg [dreg:$0x19]  }
0x17e: {  	s0 =	simm.s32 $0xF00  }
0x17f: {  	[tilespmem:s12], [sflag:$0x1] =	stream.indirect.gather [hbm4b:s9+s14], $0x80, s0, s14, $0xb8;
	[tilespmem:$0x1E200] =	vst v63  }
0x180: {  	s30 =	simm.s32 $0xF40  }
0x181: {  	[tilespmem:s15], [sflag:$0x2] =	stream.indirect.gather [hbm4b:s9+s14], $0x80, s30, s14, $0xb8;
	[tilespmem:$0x1E200] =	vst v63  }
0x182: {  	s0 =	simm.s32 $0x3780  }
0x183: {  	[spmem:s11] =	stream.indirect.scatter.add.f32 [tilespmem:s19], [sflag:$0x3], $0x1, s0, s16, $0xb8;
	[tilespmem:$0x1E200] =	vst v63  }
0x184: {  	_ =	swait.ge [sflag:s13], $0x2000  }
0x185: {  	[sflag:s13] =	ssyncset.done $0x0  }
0x186: {  	s4 =	sshll.u32 s2, $0x1;
	[sflag:s13] =	ssyncadd.s32 $0xFFFFE000  }
0x187: {  	[spmem:s10] =	stream.indirect.scatter.add.f32 [tilespmem:s12], [sflag:$0x6], $0x80, s0, s14, $0xb8;
	[tilespmem:$0x1E200] =	vst v63  }
0x188: {  	p1 =	sle.s32 s4, $0x2;
	_ =	swait.ge [sflag:s28], $0x2000  }
0x189: {  	s1 =	simm.s32 @!p1 $0xF80;
	[sflag:s28] =	ssyncset.done $0x0  }
0x18a: {  	s3 =	simm.s32 @!p1 $0x40;
	s5 =	simm.s32 @!p1 $0x6000;
	[sflag:s28] =	ssyncadd.s32 $0xFFFFE000  }
0x18b: {  	[tilespmem:s5], [sflag:$0x1] =	stream.indirect.gather @!p1 [hbm4b:s9+s3], $0x80, s1, s3, $0xb8;
	[tilespmem:$0x1E200] =	vst v63  }
0x18c: {  	s1 =	sadd.s32 $0xFFFFFFFF, s2  }
0x18d: {  	p1 =	sne.s32 s1, $0x0  }
.Ltmp10:
0x18e: {  	_ =	swait.ge [sflag:s17], $0x2000;
	(pc) =	sbr.rel @!p1 .LBB2_17-.Ltmp10, $4  }
0x18f: {  	[sflag:s17] =	ssyncset.done $0x0  }
0x190: {  	s31 =	simm.s32 $0x37C0;
	[sflag:s17] =	ssyncadd.s32 $0xFFFFE000  }
0x191: {  	[spmem:s10] =	stream.indirect.scatter.add.f32 [tilespmem:s15], [sflag:$0x6], $0x80, s31, s14, $0xb8;
	[tilespmem:$0x1E200] =	vst v63  }
0x192: {  	s5 =	simm.s32 $0xFC0;
	s3 =	simm.s32 $0x4;
	_ =	swait.ge [sflag:s28], $0x2000  }
.LBB2_16:
0x193: {  	s1 =	sadd.s32 $0xFFFFFFFF, s1;
	[sflag:s28] =	ssyncset.done $0x0;
	s0 =	sadd.s32 $0x80, s0  }
0x194: {  	p1 =	sne.s32 s1, $0x0;
	[sflag:s28] =	ssyncadd.s32 $0xFFFFE000  }
0x195: {  	[tilespmem:s15], [sflag:$0x2] =	stream.indirect.gather [hbm4b:s9+s14], $0x80, s5, s14, $0xb8;
	[tilespmem:$0x1E200] =	vst v63  }
0x196: {  	_ = 	snop  }
0x197: {  	[spmem:s11] =	stream.indirect.scatter.add.f32 [tilespmem:s19], [sflag:$0x3], $0x1, s0, s16, $0xb8;
	[tilespmem:$0x1E200] =	vst v63  }
0x198: {  	_ =	swait.ge [sflag:s13], $0x2000  }
0x199: {  	[sflag:s13] =	ssyncset.done $0x0  }
0x19a: {  	[sflag:s13] =	ssyncadd.s32 $0xFFFFE000  }
0x19b: {  	[spmem:s10] =	stream.indirect.scatter.add.f32 [tilespmem:s12], [sflag:$0x6], $0x80, s0, s14, $0xb8;
	[tilespmem:$0x1E200] =	vst v63  }
0x19c: {  	p2 =	sge.s32 s3, s4;
	_ =	swait.ge [sflag:s28], $0x2000  }
0x19d: {  	s6 =	sadd.s32 @!p2 $0x40, s5;
	s7 =	simm.s32 @!p2 $0x40;
	[sflag:s28] =	ssyncset.done $0x0  }
0x19e: {  	s8 =	simm.s32 @!p2 $0x6000;
	[sflag:s28] =	ssyncadd.s32 $0xFFFFE000  }
0x19f: {  	[tilespmem:s8], [sflag:$0x1] =	stream.indirect.gather @!p2 [hbm4b:s9+s7], $0x80, s6, s7, $0xb8;
	[tilespmem:$0x1E200] =	vst v63  }
.Ltmp11:
0x1a0: {  	_ =	swait.ge [sflag:s17], $0x2000;
	(pc) =	sbr.rel @p1 .LBB2_16-.Ltmp11, $4  }
0x1a1: {  	s6 =	sadd.s32 $0x40, s0;
	[sflag:s17] =	ssyncset.done $0x0  }
0x1a2: {  	[sflag:s17] =	ssyncadd.s32 $0xFFFFE000  }
0x1a3: {  	[spmem:s10] =	stream.indirect.scatter.add.f32 [tilespmem:s15], [sflag:$0x6], $0x80, s6, s14, $0xb8;
	[tilespmem:$0x1E200] =	vst v63  }
0x1a4: {  	s3 =	sadd.s32 $0x2, s3;
	s5 =	sadd.s32 $0x80, s5;
	_ =	swait.ge [sflag:s28], $0x2000  }
.LBB2_17:
0x1a5: {  	p1 =	sne.s32 s2, $0x1  }
.Ltmp12:
0x1a6: {  	_ = 	snop;
	(pc) =	sbr.rel @!p1 .LBB2_19-.Ltmp12, $4  }
0x1a7: {  	[sflag:s28] =	ssyncset.done $0x0  }
0x1a8: {  	[sflag:s28] =	ssyncadd.s32 $0xFFFFE000  }
0x1a9: {  	_ =	swait.ge [sflag:s18], $0x80  }
0x1aa: {  	s0 =	sadd.s32 $0xFFFFFFFF, s2;
	[sflag:s18] =	ssyncset.done $0x0  }
.LBB2_18:
0x1ab: {  	p1 =	sne.s32 s0, $0x1;
	s0 =	sadd.s32 $0xFFFFFFFF, s0;
	[sflag:s18] =	ssyncadd.s32 $0xFFFFFF80  }
.Ltmp13:
0x1ac: {  	(pc) =	sbr.rel @p1 .LBB2_18-.Ltmp13, $3  }
0x1ad: {  	_ =	sdelay $0x1  }
0x1ae: {  	_ =	swait.ge [sflag:s18], $0x80  }
0x1af: {  	[sflag:s18] =	ssyncset.done $0x0  }
.Ltmp14:
0x1b0: {  	_ = 	snop;
	(pc) =	sbr.rel .LBB2_19-.Ltmp14, $1  }
0x1b1: {  	_ =	sdelay $0x3  }
.LBB2_9:
.Ltmp15:
0x1b2: {  	(pc) =	sbr.rel .LBB2_13-.Ltmp15, $2  }
0x1b3: {  	_ =	sdelay $0x2  }
0x1b4: {  	s3 =	simm.s32 $0xF00  }
.LBB2_11:
.Ltmp16:
0x1b5: {  	(pc) =	sbr.rel .LBB2_13-.Ltmp16, $2  }
0x1b6: {  	_ =	sdelay $0x2  }
0x1b7: {  	s3 =	simm.s32 $0xF00  }
.LBB2_21:
0x1b8: {  	_ =	sfence.sel $0x180000  }
0x1b9: {  	[bflag:$0x0] =	sbarrier.arrive $0xFFFF  }
0x1ba: {  	_ =	strace $0x90000047  }
0x1bb: {  	[bflag:$0x2] =	sbarrier.arrive $0xFFFF  }
0x1bc: {  	p0 =	sne.s32 s2, $0x0;
	s0 =	rddreg [dreg:$0x5]  }
0x1bd: {  	s0 =	sadd.s32 @!p0 $0x100000, s0  }
0x1be: {  	[sflag:s0] =	ssyncadd.tile.s32 @!p0 $0x1;
	_ =	shalt  }
.Lfunc_end2:
_tile_overlayer_lowered:
.L_overlay_start_2:
0x1bf: {  	(tag) =	ssettag $0x2  }
0x1c0: {  	s0 =	rddreg [dreg:$0x0];
	s2 =	stileid.u32  }
0x1c1: {  	s1 =	rddreg [dreg:$0x1];
	p0 =	sne.s32 s2, $0x0  }
0x1c2: {  	s3 =	rddreg [dreg:$0x2];
	[bflag:$0x3] =	sbarrier.arrive $0xFFFF;
	s2 =	simm.s32 @!p0 $0x1C06  }
0x1c3: {  	[timem:s3], [sflag:s2] =	dma.local @!p0 [hbm:s0], s1  }
0x1c4: {  	s0 =	simm.s32 @!p0 $0x6  }
0x1c5: {  	_ =	swait.ge @!p0 [sflag:s0], s1  }
0x1c6: {  	s1 =	ssub.s32 @!p0 $0x0, s1;
	[sflag:s0] =	ssyncset.done @!p0 $0x0  }
0x1c7: {  	[sflag:s0] =	ssyncadd.s32 @!p0 s1  }
0x1c8: {  	[bflag:$0x3] =	sbarrier.arrive $0xFFFF  }
0x1c9: {  	_ =	shalt  }

</sc_bundles>
